<compile_context>
chip_gen: v7x
topology: tpu7x:2x2x1
jax: 0.10.2.dev20260603
libtpu: 0.0.44.dev20260713+nightly
codegen_flags: <defaults>
</compile_context>

<pallas_src>
import functools

import jax
import jax.numpy as jnp
import numpy as np
from jax import lax
from jax.experimental import pallas as pl
from jax.experimental.pallas import tpu as pltpu
from jax.experimental.pallas import tpu_sc as plsc

_VOCAB = 1000000
_DEPTH = 64
_LENGTH = 512
_BATCH = 1024

_LANES = 16


def _pos_encoding_np(length, depth):
    pos = np.arange(length)[:, None]
    i = np.arange(depth)[None, :]
    angle_rates = 1.0 / np.power(10000, 2 * (i // 2) / np.float32(depth))
    angle_rads = pos * angle_rates
    angle_rads[:, 0::2] = np.sin(angle_rads[:, 0::2])
    angle_rads[:, 1::2] = np.cos(angle_rads[:, 1::2])
    return angle_rads.astype(np.float32)


def _make_sc_kernel(n_rows, depth, length):
    info = plsc.get_sparse_core_info()
    nc, ns = info.num_cores, info.num_subcores
    nw = nc * ns
    per_w = n_rows // nw
    ch = length
    n_ch = per_w // ch
    mesh = plsc.VectorSubcoreMesh(core_axis_name="c", subcore_axis_name="s")

    @functools.partial(
        pl.kernel,
        out_type=jax.ShapeDtypeStruct((n_rows, depth), jnp.float32),
        mesh=mesh,
        scratch_types=[
            pltpu.VMEM((2, ch), jnp.int32),
            pltpu.VMEM((2, ch, depth), jnp.float32),
            pltpu.VMEM((ch, depth), jnp.float32),
            pltpu.SemaphoreType.DMA,
            pltpu.SemaphoreType.DMA,
            pltpu.SemaphoreType.DMA,
            pltpu.SemaphoreType.DMA,
        ],
        compiler_params=pltpu.CompilerParams(use_tc_tiling_on_sc=False),
    )
    def k(x_hbm, table_hbm, pe_hbm, out_hbm, idx_v, rows_v, pe_v,
          sem0, sem1, osem0, osem1):
        wid = lax.axis_index("s") * nc + lax.axis_index("c")
        base_w = wid * per_w
        sems = [sem0, sem1]
        osems = [osem0, osem1]
        pltpu.sync_copy(pe_hbm, pe_v)

        def start_gather(s, slot):
            base = base_w + s * ch
            pltpu.sync_copy(x_hbm.at[pl.ds(base, ch)], idx_v.at[slot])
            pltpu.async_copy(table_hbm.at[idx_v.at[slot]], rows_v.at[slot],
                             sems[slot])

        def step(s, slot):
            @pl.when(s + 1 < n_ch)
            def _():
                @pl.when(s >= 1)
                def _():
                    pltpu.make_async_copy(
                        rows_v.at[1 - slot],
                        out_hbm.at[pl.ds(0, ch)],
                        osems[1 - slot]).wait()

                start_gather(s + 1, 1 - slot)

            pltpu.make_async_copy(
                table_hbm.at[pl.ds(0, ch)], rows_v.at[slot],
                sems[slot]).wait()

            def row_body(r, c2):
                for c in range(depth // _LANES):
                    sl = pl.ds(c * _LANES, _LANES)
                    rows_v[slot, r, sl] = rows_v[slot, r, sl] + pe_v[r, sl]
                return c2

            lax.fori_loop(0, ch, row_body, 0)
            base = base_w + s * ch
            pltpu.async_copy(rows_v.at[slot], out_hbm.at[pl.ds(base, ch)],
                             osems[slot])

        start_gather(0, 0)

        def pair_body(p, _):
            for sl in (0, 1):
                s = p * 2 + sl

                @pl.when(s < n_ch)
                def _():
                    step(s, sl)
            return 0

        lax.fori_loop(0, (n_ch + 1) // 2, pair_body, 0)

        for sl in (0, 1):
            @pl.when(n_ch > sl)
            def _():
                pltpu.make_async_copy(
                    rows_v.at[sl], out_hbm.at[pl.ds(0, ch)],
                    osems[sl]).wait()

    return k


def kernel(x, table):
    pe = jnp.asarray(_pos_encoding_np(_LENGTH, _DEPTH))
    xf = x.reshape(-1).astype(jnp.int32)
    k = _make_sc_kernel(xf.shape[0], _DEPTH, _LENGTH)
    out = k(xf, table, pe)
    return out.reshape(_BATCH, _LENGTH, _DEPTH)

# --- scband reference (transcript-rebuilt; emitter-appended) ---
"""Pipeline reference for scband-positional-encoding-43834436223074 (READ-ONLY COPY).

The authoritative reference and input builder live on the scoring server;
editing this copy changes nothing except your own understanding.
"""

import jax, jax.numpy as jnp
import numpy as np

VOCAB = 1000000
DEPTH = 64
LENGTH = 512
BATCH = 1024


def _pos_encoding(length, depth):
    pos = np.arange(length)[:, None]
    i = np.arange(depth)[None, :]
    angle_rates = 1.0 / np.power(10000, 2 * (i // 2) / np.float32(depth))
    angle_rads = pos * angle_rates
    angle_rads[:, 0::2] = np.sin(angle_rads[:, 0::2])
    angle_rads[:, 1::2] = np.cos(angle_rads[:, 1::2])
    return jnp.asarray(angle_rads[None, ...], dtype=jnp.float32)


def setup_inputs(seed: int = 0) -> dict:
    key = jax.random.key(seed)
    k1, k2 = jax.random.split(key)
    x = jax.random.randint(k1, (BATCH, LENGTH), 0, VOCAB, dtype=jnp.int64 if jax.config.read('jax_enable_x64') else jnp.int32)
    table = jax.random.normal(k2, (VOCAB, DEPTH), dtype=jnp.float32) * 0.02
    return {"x": x, "table": table}


def reference(x, table):
    # Embedding lookup (gather) followed by additive sinusoidal positional encoding
    emb = jnp.take(table, x, axis=0)  # [B, L, depth]
    return emb + _pos_encoding(LENGTH, DEPTH)

if __name__ == "__main__":
    import jax
    _d = setup_inputs()
    print(jax.jit(kernel)(*tuple(_d.values())))

</pallas_src>

<mosaic_0001>
#map = affine_map<(d0, d1) -> (0)>
#map1 = affine_map<(d0, d1) -> (0, 0)>
module attributes {stable_mosaic.version = 14 : i64} {
  func.func @k(%arg0: i32, %arg1: i32, %arg2: memref<524288xi32, #tpu.memory_space<hbm>>, %arg3: memref<1000000x64xf32, #tpu.memory_space<hbm>>, %arg4: memref<512x64xf32, #tpu.memory_space<hbm>>, %arg5: memref<524288x64xf32, #tpu.memory_space<hbm>>, %arg6: memref<2x512xi32, #tpu.memory_space<vmem>>, %arg7: memref<2x512x64xf32, #tpu.memory_space<vmem>>, %arg8: memref<512x64xf32, #tpu.memory_space<vmem>>, %arg9: memref<!tpu.dma_semaphore, #tpu.memory_space<semaphore_mem>>, %arg10: memref<!tpu.dma_semaphore, #tpu.memory_space<semaphore_mem>>, %arg11: memref<!tpu.dma_semaphore, #tpu.memory_space<semaphore_mem>>, %arg12: memref<!tpu.dma_semaphore, #tpu.memory_space<semaphore_mem>>) attributes {dimension_semantics = [#tpu.dimension_semantics<core_parallel>, #tpu.dimension_semantics<subcore_parallel>], iteration_bounds = array<i64: 2, 16>, scalar_prefetch = 0 : i64, scratch_operands = 7 : i64, tpu.core_type = #tpu.core_type<sc_vector_subcore>, window_params = [{transform_indices = #map}, {transform_indices = #map1}, {transform_indices = #map1}, {transform_indices = #map1}]} {
    %mul3A = arith.constant 2 : i32
    %mul3A_0 = arith.muli %arg1, %mul3A : i32
    %add3A = arith.addi %mul3A_0, %arg0 : i32
    %mul3A_1 = arith.constant 16384 : i32
    %mul3A_2 = arith.muli %add3A, %mul3A_1 : i32
    "tpu.region"() ({
      %run_scoped3A_51 = tpu.sem_alloc : memref<!tpu.dma_semaphore, #tpu.memory_space<semaphore_mem>>
      tpu.enqueue_dma source(%arg4 : memref<512x64xf32, #tpu.memory_space<hbm>>) target(%arg8 : memref<512x64xf32, #tpu.memory_space<vmem>>) target_semaphore(%run_scoped3A_51 : memref<!tpu.dma_semaphore, #tpu.memory_space<semaphore_mem>>)
      tpu.wait_dma2 semaphore(%run_scoped3A_51 : memref<!tpu.dma_semaphore, #tpu.memory_space<semaphore_mem>>) src(%arg4 : memref<512x64xf32, #tpu.memory_space<hbm>>) dst(%arg8 : memref<512x64xf32, #tpu.memory_space<vmem>>)
      tpu.yield
    }) : () -> ()
    %add3A_3 = arith.constant 0 : i32
    %add3A_4 = arith.addi %mul3A_2, %add3A_3 : i32
    %run_scoped3A = arith.constant 0 : i32
    "tpu.region"() ({
      %run_scoped3A_51 = tpu.sem_alloc : memref<!tpu.dma_semaphore, #tpu.memory_space<semaphore_mem>>
      %dma_start3A_52 = arith.constant 0 : i32
      %dma_start3A_53 = tpu.memref_slice %arg6[%run_scoped3A, %dma_start3A_52] : memref<2x512xi32, #tpu.memory_space<vmem>> -> memref<1x512xi32, #tpu.memory_space<vmem>>
      %dma_start3A_54 = tpu.memref_squeeze %dma_start3A_53 : memref<1x512xi32, #tpu.memory_space<vmem>> -> memref<512xi32, #tpu.memory_space<vmem>>
      %dma_start3A_55 = tpu.memref_slice %arg2[%add3A_4] : memref<524288xi32, #tpu.memory_space<hbm>> -> memref<512xi32, #tpu.memory_space<hbm>>
      %dma_start3A_56 = arith.constant 0 : i32
      %dma_start3A_57 = tpu.memref_slice %arg6[%run_scoped3A, %dma_start3A_56] : memref<2x512xi32, #tpu.memory_space<vmem>> -> memref<1x512xi32, #tpu.memory_space<vmem>>
      %dma_start3A_58 = tpu.memref_squeeze %dma_start3A_57 : memref<1x512xi32, #tpu.memory_space<vmem>> -> memref<512xi32, #tpu.memory_space<vmem>>
      %dma_start3A_59 = tpu.memref_slice %arg2[%add3A_4] : memref<524288xi32, #tpu.memory_space<hbm>> -> memref<512xi32, #tpu.memory_space<hbm>>
      tpu.enqueue_dma source(%dma_start3A_59 : memref<512xi32, #tpu.memory_space<hbm>>) target(%dma_start3A_58 : memref<512xi32, #tpu.memory_space<vmem>>) target_semaphore(%run_scoped3A_51 : memref<!tpu.dma_semaphore, #tpu.memory_space<semaphore_mem>>)
      %dma_wait3A_60 = arith.constant 0 : i32
      %dma_wait3A_61 = tpu.memref_slice %arg6[%run_scoped3A, %dma_wait3A_60] : memref<2x512xi32, #tpu.memory_space<vmem>> -> memref<1x512xi32, #tpu.memory_space<vmem>>
      %dma_wait3A_62 = tpu.memref_squeeze %dma_wait3A_61 : memref<1x512xi32, #tpu.memory_space<vmem>> -> memref<512xi32, #tpu.memory_space<vmem>>
      %dma_wait3A_63 = tpu.memref_slice %arg2[%add3A_4] : memref<524288xi32, #tpu.memory_space<hbm>> -> memref<512xi32, #tpu.memory_space<hbm>>
      %dma_wait3A_64 = arith.constant 0 : i32
      %dma_wait3A_65 = tpu.memref_slice %arg6[%run_scoped3A, %dma_wait3A_64] : memref<2x512xi32, #tpu.memory_space<vmem>> -> memref<1x512xi32, #tpu.memory_space<vmem>>
      %dma_wait3A_66 = tpu.memref_squeeze %dma_wait3A_65 : memref<1x512xi32, #tpu.memory_space<vmem>> -> memref<512xi32, #tpu.memory_space<vmem>>
      %dma_wait3A_67 = tpu.memref_slice %arg2[%add3A_4] : memref<524288xi32, #tpu.memory_space<hbm>> -> memref<512xi32, #tpu.memory_space<hbm>>
      tpu.wait_dma2 semaphore(%run_scoped3A_51 : memref<!tpu.dma_semaphore, #tpu.memory_space<semaphore_mem>>) src(%dma_wait3A_67 : memref<512xi32, #tpu.memory_space<hbm>>) dst(%dma_wait3A_66 : memref<512xi32, #tpu.memory_space<vmem>>)
      tpu.yield
    }) : () -> ()
    %dma_start3A = arith.constant 0 : i32
    %dma_start3A_5 = arith.constant 0 : i32
    %dma_start3A_6 = arith.constant 0 : i32
    %dma_start3A_7 = arith.constant 0 : i32
    %dma_start3A_8 = tpu.memref_slice %arg7[%dma_start3A_5, %dma_start3A_6, %dma_start3A_7] : memref<2x512x64xf32, #tpu.memory_space<vmem>> -> memref<1x512x64xf32, #tpu.memory_space<vmem>>
    %dma_start3A_9 = tpu.memref_squeeze %dma_start3A_8 : memref<1x512x64xf32, #tpu.memory_space<vmem>> -> memref<512x64xf32, #tpu.memory_space<vmem>>
    %dma_start3A_10 = arith.constant 0 : i32
    %dma_start3A_11 = tpu.memref_slice %arg6[%dma_start3A, %dma_start3A_10] : memref<2x512xi32, #tpu.memory_space<vmem>> -> memref<1x512xi32, #tpu.memory_space<vmem>>
    %dma_start3A_12 = tpu.memref_squeeze %dma_start3A_11 : memref<1x512xi32, #tpu.memory_space<vmem>> -> memref<512xi32, #tpu.memory_space<vmem>>
    %dma_start3A_13 = arith.constant 0 : i32
    %dma_start3A_14 = arith.constant 0 : i32
    %dma_start3A_15 = tpu.memref_slice %arg3[%dma_start3A_13, %dma_start3A_14] : memref<1000000x64xf32, #tpu.memory_space<hbm>> -> memref<1000000x64xf32, #tpu.memory_space<hbm>>
    tpu.enqueue_indirect_dma source(%dma_start3A_15 : memref<1000000x64xf32, #tpu.memory_space<hbm>>) target(%dma_start3A_9 : memref<512x64xf32, #tpu.memory_space<vmem>>) offsets(%dma_start3A_12 : memref<512xi32, #tpu.memory_space<vmem>>) semaphore(%arg9 : memref<!tpu.dma_semaphore, #tpu.memory_space<semaphore_mem>>)
    %scan3A = arith.constant 0 : i32
    %scan3A_16 = arith.constant 0 : i32
    %scan3A_17 = arith.constant 16 : i32
    %scan3A_18 = arith.addi %scan3A_16, %scan3A_17 : i32
    %scan3A_19 = arith.constant 1 : i32
    %scan3A_20 = scf.for %scan3A_51 = %scan3A_16 to %scan3A_18 step %scan3A_19 iter_args(%scan3A_52 = %scan3A) -> (i32)  : i32 {
      %mul3A_53 = arith.constant 2 : i32
      %mul3A_54 = arith.muli %scan3A_51, %mul3A_53 : i32
      %add3A_55 = arith.constant 0 : i32
      %add3A_56 = arith.addi %mul3A_54, %add3A_55 : i32
      %lt3A = arith.constant 32 : i32
      %lt3A_57 = arith.cmpi slt, %add3A_56, %lt3A : i32
      %convert_element_type3A = arith.extui %lt3A_57 : i1 to i32
      %cond3A = arith.constant 0 : i32
      %cond3A_58 = arith.cmpi ne, %convert_element_type3A, %cond3A : i32
      scf.if %cond3A_58 {
        %add3A_69 = arith.constant 1 : i32
        %add3A_70 = arith.addi %add3A_56, %add3A_69 : i32
        %lt3A_71 = arith.constant 32 : i32
        %lt3A_72 = arith.cmpi slt, %add3A_70, %lt3A_71 : i32
        %convert_element_type3A_73 = arith.extui %lt3A_72 : i1 to i32
        %cond3A_74 = arith.constant 0 : i32
        %cond3A_75 = arith.cmpi ne, %convert_element_type3A_73, %cond3A_74 : i32
        scf.if %cond3A_75 {
          %ge3A = arith.constant 1 : i32
          %ge3A_113 = arith.cmpi sge, %add3A_56, %ge3A : i32
          %convert_element_type3A_114 = arith.extui %ge3A_113 : i1 to i32
          %cond3A_115 = arith.constant 0 : i32
          %cond3A_116 = arith.cmpi ne, %convert_element_type3A_114, %cond3A_115 : i32
          scf.if %cond3A_116 {
            %dma_wait3A_135 = arith.constant 1 : i32
            %dma_wait3A_136 = arith.constant 0 : i32
            %dma_wait3A_137 = arith.constant 0 : i32
            %dma_wait3A_138 = tpu.memref_slice %arg7[%dma_wait3A_135, %dma_wait3A_136, %dma_wait3A_137] : memref<2x512x64xf32, #tpu.memory_space<vmem>> -> memref<1x512x64xf32, #tpu.memory_space<vmem>>
            %dma_wait3A_139 = tpu.memref_squeeze %dma_wait3A_138 : memref<1x512x64xf32, #tpu.memory_space<vmem>> -> memref<512x64xf32, #tpu.memory_space<vmem>>
            %dma_wait3A_140 = arith.constant 0 : i32
            %dma_wait3A_141 = arith.constant 0 : i32
            %dma_wait3A_142 = tpu.memref_slice %arg5[%dma_wait3A_140, %dma_wait3A_141] : memref<524288x64xf32, #tpu.memory_space<hbm>> -> memref<512x64xf32, #tpu.memory_space<hbm>>
            %dma_wait3A_143 = arith.constant 0 : i32
            %dma_wait3A_144 = arith.constant 0 : i32
            %dma_wait3A_145 = tpu.memref_slice %arg5[%dma_wait3A_143, %dma_wait3A_144] : memref<524288x64xf32, #tpu.memory_space<hbm>> -> memref<512x64xf32, #tpu.memory_space<hbm>>
            %dma_wait3A_146 = arith.constant 0 : i32
            %dma_wait3A_147 = arith.constant 0 : i32
            %dma_wait3A_148 = tpu.memref_slice %arg7[%dma_wait3A_135, %dma_wait3A_146, %dma_wait3A_147] : memref<2x512x64xf32, #tpu.memory_space<vmem>> -> memref<1x512x64xf32, #tpu.memory_space<vmem>>
            %dma_wait3A_149 = tpu.memref_squeeze %dma_wait3A_148 : memref<1x512x64xf32, #tpu.memory_space<vmem>> -> memref<512x64xf32, #tpu.memory_space<vmem>>
            tpu.wait_dma2 semaphore(%arg12 : memref<!tpu.dma_semaphore, #tpu.memory_space<semaphore_mem>>) src(%dma_wait3A_149 : memref<512x64xf32, #tpu.memory_space<vmem>>) dst(%dma_wait3A_145 : memref<512x64xf32, #tpu.memory_space<hbm>>)
          } else {
          }
          %add3A_117 = arith.constant 1 : i32
          %add3A_118 = arith.addi %add3A_56, %add3A_117 : i32
          %mul3A_119 = arith.constant 512 : i32
          %mul3A_120 = arith.muli %add3A_118, %mul3A_119 : i32
          %add3A_121 = arith.addi %mul3A_2, %mul3A_120 : i32
          %run_scoped3A_122 = arith.constant 1 : i32
          "tpu.region"() ({
            %run_scoped3A_135 = tpu.sem_alloc : memref<!tpu.dma_semaphore, #tpu.memory_space<semaphore_mem>>
            %dma_start3A_136 = arith.constant 0 : i32
            %dma_start3A_137 = tpu.memref_slice %arg6[%run_scoped3A_122, %dma_start3A_136] : memref<2x512xi32, #tpu.memory_space<vmem>> -> memref<1x512xi32, #tpu.memory_space<vmem>>
            %dma_start3A_138 = tpu.memref_squeeze %dma_start3A_137 : memref<1x512xi32, #tpu.memory_space<vmem>> -> memref<512xi32, #tpu.memory_space<vmem>>
            %dma_start3A_139 = tpu.memref_slice %arg2[%add3A_121] : memref<524288xi32, #tpu.memory_space<hbm>> -> memref<512xi32, #tpu.memory_space<hbm>>
            %dma_start3A_140 = arith.constant 0 : i32
            %dma_start3A_141 = tpu.memref_slice %arg6[%run_scoped3A_122, %dma_start3A_140] : memref<2x512xi32, #tpu.memory_space<vmem>> -> memref<1x512xi32, #tpu.memory_space<vmem>>
            %dma_start3A_142 = tpu.memref_squeeze %dma_start3A_141 : memref<1x512xi32, #tpu.memory_space<vmem>> -> memref<512xi32, #tpu.memory_space<vmem>>
            %dma_start3A_143 = tpu.memref_slice %arg2[%add3A_121] : memref<524288xi32, #tpu.memory_space<hbm>> -> memref<512xi32, #tpu.memory_space<hbm>>
            tpu.enqueue_dma source(%dma_start3A_143 : memref<512xi32, #tpu.memory_space<hbm>>) target(%dma_start3A_142 : memref<512xi32, #tpu.memory_space<vmem>>) target_semaphore(%run_scoped3A_135 : memref<!tpu.dma_semaphore, #tpu.memory_space<semaphore_mem>>)
            %dma_wait3A_144 = arith.constant 0 : i32
            %dma_wait3A_145 = tpu.memref_slice %arg6[%run_scoped3A_122, %dma_wait3A_144] : memref<2x512xi32, #tpu.memory_space<vmem>> -> memref<1x512xi32, #tpu.memory_space<vmem>>
            %dma_wait3A_146 = tpu.memref_squeeze %dma_wait3A_145 : memref<1x512xi32, #tpu.memory_space<vmem>> -> memref<512xi32, #tpu.memory_space<vmem>>
            %dma_wait3A_147 = tpu.memref_slice %arg2[%add3A_121] : memref<524288xi32, #tpu.memory_space<hbm>> -> memref<512xi32, #tpu.memory_space<hbm>>
            %dma_wait3A_148 = arith.constant 0 : i32
            %dma_wait3A_149 = tpu.memref_slice %arg6[%run_scoped3A_122, %dma_wait3A_148] : memref<2x512xi32, #tpu.memory_space<vmem>> -> memref<1x512xi32, #tpu.memory_space<vmem>>
            %dma_wait3A_150 = tpu.memref_squeeze %dma_wait3A_149 : memref<1x512xi32, #tpu.memory_space<vmem>> -> memref<512xi32, #tpu.memory_space<vmem>>
            %dma_wait3A_151 = tpu.memref_slice %arg2[%add3A_121] : memref<524288xi32, #tpu.memory_space<hbm>> -> memref<512xi32, #tpu.memory_space<hbm>>
            tpu.wait_dma2 semaphore(%run_scoped3A_135 : memref<!tpu.dma_semaphore, #tpu.memory_space<semaphore_mem>>) src(%dma_wait3A_151 : memref<512xi32, #tpu.memory_space<hbm>>) dst(%dma_wait3A_150 : memref<512xi32, #tpu.memory_space<vmem>>)
            tpu.yield
          }) : () -> ()
          %dma_start3A_123 = arith.constant 1 : i32
          %dma_start3A_124 = arith.constant 1 : i32
          %dma_start3A_125 = arith.constant 0 : i32
          %dma_start3A_126 = arith.constant 0 : i32
          %dma_start3A_127 = tpu.memref_slice %arg7[%dma_start3A_124, %dma_start3A_125, %dma_start3A_126] : memref<2x512x64xf32, #tpu.memory_space<vmem>> -> memref<1x512x64xf32, #tpu.memory_space<vmem>>
          %dma_start3A_128 = tpu.memref_squeeze %dma_start3A_127 : memref<1x512x64xf32, #tpu.memory_space<vmem>> -> memref<512x64xf32, #tpu.memory_space<vmem>>
          %dma_start3A_129 = arith.constant 0 : i32
          %dma_start3A_130 = tpu.memref_slice %arg6[%dma_start3A_123, %dma_start3A_129] : memref<2x512xi32, #tpu.memory_space<vmem>> -> memref<1x512xi32, #tpu.memory_space<vmem>>
          %dma_start3A_131 = tpu.memref_squeeze %dma_start3A_130 : memref<1x512xi32, #tpu.memory_space<vmem>> -> memref<512xi32, #tpu.memory_space<vmem>>
          %dma_start3A_132 = arith.constant 0 : i32
          %dma_start3A_133 = arith.constant 0 : i32
          %dma_start3A_134 = tpu.memref_slice %arg3[%dma_start3A_132, %dma_start3A_133] : memref<1000000x64xf32, #tpu.memory_space<hbm>> -> memref<1000000x64xf32, #tpu.memory_space<hbm>>
          tpu.enqueue_indirect_dma source(%dma_start3A_134 : memref<1000000x64xf32, #tpu.memory_space<hbm>>) target(%dma_start3A_128 : memref<512x64xf32, #tpu.memory_space<vmem>>) offsets(%dma_start3A_131 : memref<512xi32, #tpu.memory_space<vmem>>) semaphore(%arg10 : memref<!tpu.dma_semaphore, #tpu.memory_space<semaphore_mem>>)
        } else {
        }
        %dma_wait3A_76 = arith.constant 0 : i32
        %dma_wait3A_77 = arith.constant 0 : i32
        %dma_wait3A_78 = arith.constant 0 : i32
        %dma_wait3A_79 = tpu.memref_slice %arg7[%dma_wait3A_76, %dma_wait3A_77, %dma_wait3A_78] : memref<2x512x64xf32, #tpu.memory_space<vmem>> -> memref<1x512x64xf32, #tpu.memory_space<vmem>>
        %dma_wait3A_80 = tpu.memref_squeeze %dma_wait3A_79 : memref<1x512x64xf32, #tpu.memory_space<vmem>> -> memref<512x64xf32, #tpu.memory_space<vmem>>
        %dma_wait3A_81 = arith.constant 0 : i32
        %dma_wait3A_82 = arith.constant 0 : i32
        %dma_wait3A_83 = tpu.memref_slice %arg3[%dma_wait3A_81, %dma_wait3A_82] : memref<1000000x64xf32, #tpu.memory_space<hbm>> -> memref<512x64xf32, #tpu.memory_space<hbm>>
        %dma_wait3A_84 = arith.constant 0 : i32
        %dma_wait3A_85 = arith.constant 0 : i32
        %dma_wait3A_86 = tpu.memref_slice %arg7[%dma_wait3A_76, %dma_wait3A_84, %dma_wait3A_85] : memref<2x512x64xf32, #tpu.memory_space<vmem>> -> memref<1x512x64xf32, #tpu.memory_space<vmem>>
        %dma_wait3A_87 = tpu.memref_squeeze %dma_wait3A_86 : memref<1x512x64xf32, #tpu.memory_space<vmem>> -> memref<512x64xf32, #tpu.memory_space<vmem>>
        %dma_wait3A_88 = arith.constant 0 : i32
        %dma_wait3A_89 = arith.constant 0 : i32
        %dma_wait3A_90 = tpu.memref_slice %arg3[%dma_wait3A_88, %dma_wait3A_89] : memref<1000000x64xf32, #tpu.memory_space<hbm>> -> memref<512x64xf32, #tpu.memory_space<hbm>>
        tpu.wait_dma2 semaphore(%arg9 : memref<!tpu.dma_semaphore, #tpu.memory_space<semaphore_mem>>) src(%dma_wait3A_90 : memref<512x64xf32, #tpu.memory_space<hbm>>) dst(%dma_wait3A_87 : memref<512x64xf32, #tpu.memory_space<vmem>>)
        %scan3A_91 = arith.constant 0 : i32
        %scan3A_92 = arith.constant 0 : i32
        %scan3A_93 = arith.constant 512 : i32
        %scan3A_94 = arith.addi %scan3A_92, %scan3A_93 : i32
        %scan3A_95 = arith.constant 1 : i32
        scf.for %scan3A_113 = %scan3A_92 to %scan3A_94 step %scan3A_95  : i32 {
          %get3A = arith.constant 0 : i32
          %get3A_114 = arith.index_cast %get3A : i32 to index
          %get3A_115 = arith.index_cast %scan3A_113 : i32 to index
          %get3A_116 = arith.constant 0 : index
          %get3A_117 = tpu.vector_load %arg7[%get3A_114, %get3A_115, %get3A_116] {strides = array<i32>} : memref<2x512x64xf32, #tpu.memory_space<vmem>>, vector<1x1x16xf32>,
          %get3A_118 = vector.shape_cast %get3A_117 : vector<1x1x16xf32> to vector<16xf32>
          %get3A_119 = arith.index_cast %scan3A_113 : i32 to index
          %get3A_120 = arith.constant 0 : index
          %get3A_121 = tpu.vector_load %arg8[%get3A_119, %get3A_120] {strides = array<i32>} : memref<512x64xf32, #tpu.memory_space<vmem>>, vector<1x16xf32>,
          %get3A_122 = vector.shape_cast %get3A_121 : vector<1x16xf32> to vector<16xf32>
          %add3A_123 = arith.addf %get3A_118, %get3A_122 : vector<16xf32>
          %swap3A = arith.constant 0 : i32
          %swap3A_124 = arith.index_cast %swap3A : i32 to index
          %swap3A_125 = arith.index_cast %scan3A_113 : i32 to index
          %swap3A_126 = arith.constant 0 : index
          %swap3A_127 = tpu.vector_load %arg7[%swap3A_124, %swap3A_125, %swap3A_126] {strides = array<i32>} : memref<2x512x64xf32, #tpu.memory_space<vmem>>, vector<1x1x16xf32>,
          %swap3A_128 = vector.shape_cast %swap3A_127 : vector<1x1x16xf32> to vector<16xf32>
          %swap3A_129 = vector.shape_cast %add3A_123 : vector<16xf32> to vector<1x1x16xf32>
          tpu.vector_store %arg7[%swap3A_124, %swap3A_125, %swap3A_126], %swap3A_129 {strides = array<i32>} : memref<2x512x64xf32, #tpu.memory_space<vmem>>, vector<1x1x16xf32>,
          %get3A_130 = arith.constant 0 : i32
          %get3A_131 = arith.index_cast %get3A_130 : i32 to index
          %get3A_132 = arith.index_cast %scan3A_113 : i32 to index
          %get3A_133 = arith.constant 16 : index
          %get3A_134 = tpu.vector_load %arg7[%get3A_131, %get3A_132, %get3A_133] {strides = array<i32>} : memref<2x512x64xf32, #tpu.memory_space<vmem>>, vector<1x1x16xf32>,
          %get3A_135 = vector.shape_cast %get3A_134 : vector<1x1x16xf32> to vector<16xf32>
          %get3A_136 = arith.index_cast %scan3A_113 : i32 to index
          %get3A_137 = arith.constant 16 : index
          %get3A_138 = tpu.vector_load %arg8[%get3A_136, %get3A_137] {strides = array<i32>} : memref<512x64xf32, #tpu.memory_space<vmem>>, vector<1x16xf32>,
          %get3A_139 = vector.shape_cast %get3A_138 : vector<1x16xf32> to vector<16xf32>
          %add3A_140 = arith.addf %get3A_135, %get3A_139 : vector<16xf32>
          %swap3A_141 = arith.constant 0 : i32
          %swap3A_142 = arith.index_cast %swap3A_141 : i32 to index
          %swap3A_143 = arith.index_cast %scan3A_113 : i32 to index
          %swap3A_144 = arith.constant 16 : index
          %swap3A_145 = tpu.vector_load %arg7[%swap3A_142, %swap3A_143, %swap3A_144] {strides = array<i32>} : memref<2x512x64xf32, #tpu.memory_space<vmem>>, vector<1x1x16xf32>,
          %swap3A_146 = vector.shape_cast %swap3A_145 : vector<1x1x16xf32> to vector<16xf32>
          %swap3A_147 = vector.shape_cast %add3A_140 : vector<16xf32> to vector<1x1x16xf32>
          tpu.vector_store %arg7[%swap3A_142, %swap3A_143, %swap3A_144], %swap3A_147 {strides = array<i32>} : memref<2x512x64xf32, #tpu.memory_space<vmem>>, vector<1x1x16xf32>,
          %get3A_148 = arith.constant 0 : i32
          %get3A_149 = arith.index_cast %get3A_148 : i32 to index
          %get3A_150 = arith.index_cast %scan3A_113 : i32 to index
          %get3A_151 = arith.constant 32 : index
          %get3A_152 = tpu.vector_load %arg7[%get3A_149, %get3A_150, %get3A_151] {strides = array<i32>} : memref<2x512x64xf32, #tpu.memory_space<vmem>>, vector<1x1x16xf32>,
          %get3A_153 = vector.shape_cast %get3A_152 : vector<1x1x16xf32> to vector<16xf32>
          %get3A_154 = arith.index_cast %scan3A_113 : i32 to index
          %get3A_155 = arith.constant 32 : index
          %get3A_156 = tpu.vector_load %arg8[%get3A_154, %get3A_155] {strides = array<i32>} : memref<512x64xf32, #tpu.memory_space<vmem>>, vector<1x16xf32>,
          %get3A_157 = vector.shape_cast %get3A_156 : vector<1x16xf32> to vector<16xf32>
          %add3A_158 = arith.addf %get3A_153, %get3A_157 : vector<16xf32>
          %swap3A_159 = arith.constant 0 : i32
          %swap3A_160 = arith.index_cast %swap3A_159 : i32 to index
          %swap3A_161 = arith.index_cast %scan3A_113 : i32 to index
          %swap3A_162 = arith.constant 32 : index
          %swap3A_163 = tpu.vector_load %arg7[%swap3A_160, %swap3A_161, %swap3A_162] {strides = array<i32>} : memref<2x512x64xf32, #tpu.memory_space<vmem>>, vector<1x1x16xf32>,
          %swap3A_164 = vector.shape_cast %swap3A_163 : vector<1x1x16xf32> to vector<16xf32>
          %swap3A_165 = vector.shape_cast %add3A_158 : vector<16xf32> to vector<1x1x16xf32>
          tpu.vector_store %arg7[%swap3A_160, %swap3A_161, %swap3A_162], %swap3A_165 {strides = array<i32>} : memref<2x512x64xf32, #tpu.memory_space<vmem>>, vector<1x1x16xf32>,
          %get3A_166 = arith.constant 0 : i32
          %get3A_167 = arith.index_cast %get3A_166 : i32 to index
          %get3A_168 = arith.index_cast %scan3A_113 : i32 to index
          %get3A_169 = arith.constant 48 : index
          %get3A_170 = tpu.vector_load %arg7[%get3A_167, %get3A_168, %get3A_169] {strides = array<i32>} : memref<2x512x64xf32, #tpu.memory_space<vmem>>, vector<1x1x16xf32>,
          %get3A_171 = vector.shape_cast %get3A_170 : vector<1x1x16xf32> to vector<16xf32>
          %get3A_172 = arith.index_cast %scan3A_113 : i32 to index
          %get3A_173 = arith.constant 48 : index
          %get3A_174 = tpu.vector_load %arg8[%get3A_172, %get3A_173] {strides = array<i32>} : memref<512x64xf32, #tpu.memory_space<vmem>>, vector<1x16xf32>,
          %get3A_175 = vector.shape_cast %get3A_174 : vector<1x16xf32> to vector<16xf32>
          %add3A_176 = arith.addf %get3A_171, %get3A_175 : vector<16xf32>
          %swap3A_177 = arith.constant 0 : i32
          %swap3A_178 = arith.index_cast %swap3A_177 : i32 to index
          %swap3A_179 = arith.index_cast %scan3A_113 : i32 to index
          %swap3A_180 = arith.constant 48 : index
          %swap3A_181 = tpu.vector_load %arg7[%swap3A_178, %swap3A_179, %swap3A_180] {strides = array<i32>} : memref<2x512x64xf32, #tpu.memory_space<vmem>>, vector<1x1x16xf32>,
          %swap3A_182 = vector.shape_cast %swap3A_181 : vector<1x1x16xf32> to vector<16xf32>
          %swap3A_183 = vector.shape_cast %add3A_176 : vector<16xf32> to vector<1x1x16xf32>
          tpu.vector_store %arg7[%swap3A_178, %swap3A_179, %swap3A_180], %swap3A_183 {strides = array<i32>} : memref<2x512x64xf32, #tpu.memory_space<vmem>>, vector<1x1x16xf32>,
        }
        %scan3A_96 = arith.constant 512 : i32
        %mul3A_97 = arith.constant 512 : i32
        %mul3A_98 = arith.muli %add3A_56, %mul3A_97 : i32
        %add3A_99 = arith.addi %mul3A_2, %mul3A_98 : i32
        %dma_start3A_100 = arith.constant 0 : i32
        %dma_start3A_101 = arith.constant 0 : i32
        %dma_start3A_102 = arith.constant 0 : i32
        %dma_start3A_103 = tpu.memref_slice %arg7[%dma_start3A_100, %dma_start3A_101, %dma_start3A_102] : memref<2x512x64xf32, #tpu.memory_space<vmem>> -> memref<1x512x64xf32, #tpu.memory_space<vmem>>
        %dma_start3A_104 = tpu.memref_squeeze %dma_start3A_103 : memref<1x512x64xf32, #tpu.memory_space<vmem>> -> memref<512x64xf32, #tpu.memory_space<vmem>>
        %dma_start3A_105 = arith.constant 0 : i32
        %dma_start3A_106 = tpu.memref_slice %arg5[%add3A_99, %dma_start3A_105] : memref<524288x64xf32, #tpu.memory_space<hbm>> -> memref<512x64xf32, #tpu.memory_space<hbm>>
        %dma_start3A_107 = arith.constant 0 : i32
        %dma_start3A_108 = tpu.memref_slice %arg5[%add3A_99, %dma_start3A_107] : memref<524288x64xf32, #tpu.memory_space<hbm>> -> memref<512x64xf32, #tpu.memory_space<hbm>>
        %dma_start3A_109 = arith.constant 0 : i32
        %dma_start3A_110 = arith.constant 0 : i32
        %dma_start3A_111 = tpu.memref_slice %arg7[%dma_start3A_100, %dma_start3A_109, %dma_start3A_110] : memref<2x512x64xf32, #tpu.memory_space<vmem>> -> memref<1x512x64xf32, #tpu.memory_space<vmem>>
        %dma_start3A_112 = tpu.memref_squeeze %dma_start3A_111 : memref<1x512x64xf32, #tpu.memory_space<vmem>> -> memref<512x64xf32, #tpu.memory_space<vmem>>
        tpu.enqueue_dma source(%dma_start3A_112 : memref<512x64xf32, #tpu.memory_space<vmem>>) target(%dma_start3A_108 : memref<512x64xf32, #tpu.memory_space<hbm>>) target_semaphore(%arg11 : memref<!tpu.dma_semaphore, #tpu.memory_space<semaphore_mem>>)
      } else {
      }
      %mul3A_59 = arith.constant 2 : i32
      %mul3A_60 = arith.muli %scan3A_51, %mul3A_59 : i32
      %add3A_61 = arith.constant 1 : i32
      %add3A_62 = arith.addi %mul3A_60, %add3A_61 : i32
      %lt3A_63 = arith.constant 32 : i32
      %lt3A_64 = arith.cmpi slt, %add3A_62, %lt3A_63 : i32
      %convert_element_type3A_65 = arith.extui %lt3A_64 : i1 to i32
      %cond3A_66 = arith.constant 0 : i32
      %cond3A_67 = arith.cmpi ne, %convert_element_type3A_65, %cond3A_66 : i32
      scf.if %cond3A_67 {
        %add3A_69 = arith.constant 1 : i32
        %add3A_70 = arith.addi %add3A_62, %add3A_69 : i32
        %lt3A_71 = arith.constant 32 : i32
        %lt3A_72 = arith.cmpi slt, %add3A_70, %lt3A_71 : i32
        %convert_element_type3A_73 = arith.extui %lt3A_72 : i1 to i32
        %cond3A_74 = arith.constant 0 : i32
        %cond3A_75 = arith.cmpi ne, %convert_element_type3A_73, %cond3A_74 : i32
        scf.if %cond3A_75 {
          %ge3A = arith.constant 1 : i32
          %ge3A_113 = arith.cmpi sge, %add3A_62, %ge3A : i32
          %convert_element_type3A_114 = arith.extui %ge3A_113 : i1 to i32
          %cond3A_115 = arith.constant 0 : i32
          %cond3A_116 = arith.cmpi ne, %convert_element_type3A_114, %cond3A_115 : i32
          scf.if %cond3A_116 {
            %dma_wait3A_135 = arith.constant 0 : i32
            %dma_wait3A_136 = arith.constant 0 : i32
            %dma_wait3A_137 = arith.constant 0 : i32
            %dma_wait3A_138 = tpu.memref_slice %arg7[%dma_wait3A_135, %dma_wait3A_136, %dma_wait3A_137] : memref<2x512x64xf32, #tpu.memory_space<vmem>> -> memref<1x512x64xf32, #tpu.memory_space<vmem>>
            %dma_wait3A_139 = tpu.memref_squeeze %dma_wait3A_138 : memref<1x512x64xf32, #tpu.memory_space<vmem>> -> memref<512x64xf32, #tpu.memory_space<vmem>>
            %dma_wait3A_140 = arith.constant 0 : i32
            %dma_wait3A_141 = arith.constant 0 : i32
            %dma_wait3A_142 = tpu.memref_slice %arg5[%dma_wait3A_140, %dma_wait3A_141] : memref<524288x64xf32, #tpu.memory_space<hbm>> -> memref<512x64xf32, #tpu.memory_space<hbm>>
            %dma_wait3A_143 = arith.constant 0 : i32
            %dma_wait3A_144 = arith.constant 0 : i32
            %dma_wait3A_145 = tpu.memref_slice %arg5[%dma_wait3A_143, %dma_wait3A_144] : memref<524288x64xf32, #tpu.memory_space<hbm>> -> memref<512x64xf32, #tpu.memory_space<hbm>>
            %dma_wait3A_146 = arith.constant 0 : i32
            %dma_wait3A_147 = arith.constant 0 : i32
            %dma_wait3A_148 = tpu.memref_slice %arg7[%dma_wait3A_135, %dma_wait3A_146, %dma_wait3A_147] : memref<2x512x64xf32, #tpu.memory_space<vmem>> -> memref<1x512x64xf32, #tpu.memory_space<vmem>>
            %dma_wait3A_149 = tpu.memref_squeeze %dma_wait3A_148 : memref<1x512x64xf32, #tpu.memory_space<vmem>> -> memref<512x64xf32, #tpu.memory_space<vmem>>
            tpu.wait_dma2 semaphore(%arg11 : memref<!tpu.dma_semaphore, #tpu.memory_space<semaphore_mem>>) src(%dma_wait3A_149 : memref<512x64xf32, #tpu.memory_space<vmem>>) dst(%dma_wait3A_145 : memref<512x64xf32, #tpu.memory_space<hbm>>)
          } else {
          }
          %add3A_117 = arith.constant 1 : i32
          %add3A_118 = arith.addi %add3A_62, %add3A_117 : i32
          %mul3A_119 = arith.constant 512 : i32
          %mul3A_120 = arith.muli %add3A_118, %mul3A_119 : i32
          %add3A_121 = arith.addi %mul3A_2, %mul3A_120 : i32
          %run_scoped3A_122 = arith.constant 0 : i32
          "tpu.region"() ({
            %run_scoped3A_135 = tpu.sem_alloc : memref<!tpu.dma_semaphore, #tpu.memory_space<semaphore_mem>>
            %dma_start3A_136 = arith.constant 0 : i32
            %dma_start3A_137 = tpu.memref_slice %arg6[%run_scoped3A_122, %dma_start3A_136] : memref<2x512xi32, #tpu.memory_space<vmem>> -> memref<1x512xi32, #tpu.memory_space<vmem>>
            %dma_start3A_138 = tpu.memref_squeeze %dma_start3A_137 : memref<1x512xi32, #tpu.memory_space<vmem>> -> memref<512xi32, #tpu.memory_space<vmem>>
            %dma_start3A_139 = tpu.memref_slice %arg2[%add3A_121] : memref<524288xi32, #tpu.memory_space<hbm>> -> memref<512xi32, #tpu.memory_space<hbm>>
            %dma_start3A_140 = arith.constant 0 : i32
            %dma_start3A_141 = tpu.memref_slice %arg6[%run_scoped3A_122, %dma_start3A_140] : memref<2x512xi32, #tpu.memory_space<vmem>> -> memref<1x512xi32, #tpu.memory_space<vmem>>
            %dma_start3A_142 = tpu.memref_squeeze %dma_start3A_141 : memref<1x512xi32, #tpu.memory_space<vmem>> -> memref<512xi32, #tpu.memory_space<vmem>>
            %dma_start3A_143 = tpu.memref_slice %arg2[%add3A_121] : memref<524288xi32, #tpu.memory_space<hbm>> -> memref<512xi32, #tpu.memory_space<hbm>>
            tpu.enqueue_dma source(%dma_start3A_143 : memref<512xi32, #tpu.memory_space<hbm>>) target(%dma_start3A_142 : memref<512xi32, #tpu.memory_space<vmem>>) target_semaphore(%run_scoped3A_135 : memref<!tpu.dma_semaphore, #tpu.memory_space<semaphore_mem>>)
            %dma_wait3A_144 = arith.constant 0 : i32
            %dma_wait3A_145 = tpu.memref_slice %arg6[%run_scoped3A_122, %dma_wait3A_144] : memref<2x512xi32, #tpu.memory_space<vmem>> -> memref<1x512xi32, #tpu.memory_space<vmem>>
            %dma_wait3A_146 = tpu.memref_squeeze %dma_wait3A_145 : memref<1x512xi32, #tpu.memory_space<vmem>> -> memref<512xi32, #tpu.memory_space<vmem>>
            %dma_wait3A_147 = tpu.memref_slice %arg2[%add3A_121] : memref<524288xi32, #tpu.memory_space<hbm>> -> memref<512xi32, #tpu.memory_space<hbm>>
            %dma_wait3A_148 = arith.constant 0 : i32
            %dma_wait3A_149 = tpu.memref_slice %arg6[%run_scoped3A_122, %dma_wait3A_148] : memref<2x512xi32, #tpu.memory_space<vmem>> -> memref<1x512xi32, #tpu.memory_space<vmem>>
            %dma_wait3A_150 = tpu.memref_squeeze %dma_wait3A_149 : memref<1x512xi32, #tpu.memory_space<vmem>> -> memref<512xi32, #tpu.memory_space<vmem>>
            %dma_wait3A_151 = tpu.memref_slice %arg2[%add3A_121] : memref<524288xi32, #tpu.memory_space<hbm>> -> memref<512xi32, #tpu.memory_space<hbm>>
            tpu.wait_dma2 semaphore(%run_scoped3A_135 : memref<!tpu.dma_semaphore, #tpu.memory_space<semaphore_mem>>) src(%dma_wait3A_151 : memref<512xi32, #tpu.memory_space<hbm>>) dst(%dma_wait3A_150 : memref<512xi32, #tpu.memory_space<vmem>>)
            tpu.yield
          }) : () -> ()
          %dma_start3A_123 = arith.constant 0 : i32
          %dma_start3A_124 = arith.constant 0 : i32
          %dma_start3A_125 = arith.constant 0 : i32
          %dma_start3A_126 = arith.constant 0 : i32
          %dma_start3A_127 = tpu.memref_slice %arg7[%dma_start3A_124, %dma_start3A_125, %dma_start3A_126] : memref<2x512x64xf32, #tpu.memory_space<vmem>> -> memref<1x512x64xf32, #tpu.memory_space<vmem>>
          %dma_start3A_128 = tpu.memref_squeeze %dma_start3A_127 : memref<1x512x64xf32, #tpu.memory_space<vmem>> -> memref<512x64xf32, #tpu.memory_space<vmem>>
          %dma_start3A_129 = arith.constant 0 : i32
          %dma_start3A_130 = tpu.memref_slice %arg6[%dma_start3A_123, %dma_start3A_129] : memref<2x512xi32, #tpu.memory_space<vmem>> -> memref<1x512xi32, #tpu.memory_space<vmem>>
          %dma_start3A_131 = tpu.memref_squeeze %dma_start3A_130 : memref<1x512xi32, #tpu.memory_space<vmem>> -> memref<512xi32, #tpu.memory_space<vmem>>
          %dma_start3A_132 = arith.constant 0 : i32
          %dma_start3A_133 = arith.constant 0 : i32
          %dma_start3A_134 = tpu.memref_slice %arg3[%dma_start3A_132, %dma_start3A_133] : memref<1000000x64xf32, #tpu.memory_space<hbm>> -> memref<1000000x64xf32, #tpu.memory_space<hbm>>
          tpu.enqueue_indirect_dma source(%dma_start3A_134 : memref<1000000x64xf32, #tpu.memory_space<hbm>>) target(%dma_start3A_128 : memref<512x64xf32, #tpu.memory_space<vmem>>) offsets(%dma_start3A_131 : memref<512xi32, #tpu.memory_space<vmem>>) semaphore(%arg9 : memref<!tpu.dma_semaphore, #tpu.memory_space<semaphore_mem>>)
        } else {
        }
        %dma_wait3A_76 = arith.constant 1 : i32
        %dma_wait3A_77 = arith.constant 0 : i32
        %dma_wait3A_78 = arith.constant 0 : i32
        %dma_wait3A_79 = tpu.memref_slice %arg7[%dma_wait3A_76, %dma_wait3A_77, %dma_wait3A_78] : memref<2x512x64xf32, #tpu.memory_space<vmem>> -> memref<1x512x64xf32, #tpu.memory_space<vmem>>
        %dma_wait3A_80 = tpu.memref_squeeze %dma_wait3A_79 : memref<1x512x64xf32, #tpu.memory_space<vmem>> -> memref<512x64xf32, #tpu.memory_space<vmem>>
        %dma_wait3A_81 = arith.constant 0 : i32
        %dma_wait3A_82 = arith.constant 0 : i32
        %dma_wait3A_83 = tpu.memref_slice %arg3[%dma_wait3A_81, %dma_wait3A_82] : memref<1000000x64xf32, #tpu.memory_space<hbm>> -> memref<512x64xf32, #tpu.memory_space<hbm>>
        %dma_wait3A_84 = arith.constant 0 : i32
        %dma_wait3A_85 = arith.constant 0 : i32
        %dma_wait3A_86 = tpu.memref_slice %arg7[%dma_wait3A_76, %dma_wait3A_84, %dma_wait3A_85] : memref<2x512x64xf32, #tpu.memory_space<vmem>> -> memref<1x512x64xf32, #tpu.memory_space<vmem>>
        %dma_wait3A_87 = tpu.memref_squeeze %dma_wait3A_86 : memref<1x512x64xf32, #tpu.memory_space<vmem>> -> memref<512x64xf32, #tpu.memory_space<vmem>>
        %dma_wait3A_88 = arith.constant 0 : i32
        %dma_wait3A_89 = arith.constant 0 : i32
        %dma_wait3A_90 = tpu.memref_slice %arg3[%dma_wait3A_88, %dma_wait3A_89] : memref<1000000x64xf32, #tpu.memory_space<hbm>> -> memref<512x64xf32, #tpu.memory_space<hbm>>
        tpu.wait_dma2 semaphore(%arg10 : memref<!tpu.dma_semaphore, #tpu.memory_space<semaphore_mem>>) src(%dma_wait3A_90 : memref<512x64xf32, #tpu.memory_space<hbm>>) dst(%dma_wait3A_87 : memref<512x64xf32, #tpu.memory_space<vmem>>)
        %scan3A_91 = arith.constant 0 : i32
        %scan3A_92 = arith.constant 0 : i32
        %scan3A_93 = arith.constant 512 : i32
        %scan3A_94 = arith.addi %scan3A_92, %scan3A_93 : i32
        %scan3A_95 = arith.constant 1 : i32
        scf.for %scan3A_113 = %scan3A_92 to %scan3A_94 step %scan3A_95  : i32 {
          %get3A = arith.constant 1 : i32
          %get3A_114 = arith.index_cast %get3A : i32 to index
          %get3A_115 = arith.index_cast %scan3A_113 : i32 to index
          %get3A_116 = arith.constant 0 : index
          %get3A_117 = tpu.vector_load %arg7[%get3A_114, %get3A_115, %get3A_116] {strides = array<i32>} : memref<2x512x64xf32, #tpu.memory_space<vmem>>, vector<1x1x16xf32>,
          %get3A_118 = vector.shape_cast %get3A_117 : vector<1x1x16xf32> to vector<16xf32>
          %get3A_119 = arith.index_cast %scan3A_113 : i32 to index
          %get3A_120 = arith.constant 0 : index
          %get3A_121 = tpu.vector_load %arg8[%get3A_119, %get3A_120] {strides = array<i32>} : memref<512x64xf32, #tpu.memory_space<vmem>>, vector<1x16xf32>,
          %get3A_122 = vector.shape_cast %get3A_121 : vector<1x16xf32> to vector<16xf32>
          %add3A_123 = arith.addf %get3A_118, %get3A_122 : vector<16xf32>
          %swap3A = arith.constant 1 : i32
          %swap3A_124 = arith.index_cast %swap3A : i32 to index
          %swap3A_125 = arith.index_cast %scan3A_113 : i32 to index
          %swap3A_126 = arith.constant 0 : index
          %swap3A_127 = tpu.vector_load %arg7[%swap3A_124, %swap3A_125, %swap3A_126] {strides = array<i32>} : memref<2x512x64xf32, #tpu.memory_space<vmem>>, vector<1x1x16xf32>,
          %swap3A_128 = vector.shape_cast %swap3A_127 : vector<1x1x16xf32> to vector<16xf32>
          %swap3A_129 = vector.shape_cast %add3A_123 : vector<16xf32> to vector<1x1x16xf32>
          tpu.vector_store %arg7[%swap3A_124, %swap3A_125, %swap3A_126], %swap3A_129 {strides = array<i32>} : memref<2x512x64xf32, #tpu.memory_space<vmem>>, vector<1x1x16xf32>,
          %get3A_130 = arith.constant 1 : i32
          %get3A_131 = arith.index_cast %get3A_130 : i32 to index
          %get3A_132 = arith.index_cast %scan3A_113 : i32 to index
          %get3A_133 = arith.constant 16 : index
          %get3A_134 = tpu.vector_load %arg7[%get3A_131, %get3A_132, %get3A_133] {strides = array<i32>} : memref<2x512x64xf32, #tpu.memory_space<vmem>>, vector<1x1x16xf32>,
          %get3A_135 = vector.shape_cast %get3A_134 : vector<1x1x16xf32> to vector<16xf32>
          %get3A_136 = arith.index_cast %scan3A_113 : i32 to index
          %get3A_137 = arith.constant 16 : index
          %get3A_138 = tpu.vector_load %arg8[%get3A_136, %get3A_137] {strides = array<i32>} : memref<512x64xf32, #tpu.memory_space<vmem>>, vector<1x16xf32>,
          %get3A_139 = vector.shape_cast %get3A_138 : vector<1x16xf32> to vector<16xf32>
          %add3A_140 = arith.addf %get3A_135, %get3A_139 : vector<16xf32>
          %swap3A_141 = arith.constant 1 : i32
          %swap3A_142 = arith.index_cast %swap3A_141 : i32 to index
          %swap3A_143 = arith.index_cast %scan3A_113 : i32 to index
          %swap3A_144 = arith.constant 16 : index
          %swap3A_145 = tpu.vector_load %arg7[%swap3A_142, %swap3A_143, %swap3A_144] {strides = array<i32>} : memref<2x512x64xf32, #tpu.memory_space<vmem>>, vector<1x1x16xf32>,
          %swap3A_146 = vector.shape_cast %swap3A_145 : vector<1x1x16xf32> to vector<16xf32>
          %swap3A_147 = vector.shape_cast %add3A_140 : vector<16xf32> to vector<1x1x16xf32>
          tpu.vector_store %arg7[%swap3A_142, %swap3A_143, %swap3A_144], %swap3A_147 {strides = array<i32>} : memref<2x512x64xf32, #tpu.memory_space<vmem>>, vector<1x1x16xf32>,
          %get3A_148 = arith.constant 1 : i32
          %get3A_149 = arith.index_cast %get3A_148 : i32 to index
          %get3A_150 = arith.index_cast %scan3A_113 : i32 to index
          %get3A_151 = arith.constant 32 : index
          %get3A_152 = tpu.vector_load %arg7[%get3A_149, %get3A_150, %get3A_151] {strides = array<i32>} : memref<2x512x64xf32, #tpu.memory_space<vmem>>, vector<1x1x16xf32>,
          %get3A_153 = vector.shape_cast %get3A_152 : vector<1x1x16xf32> to vector<16xf32>
          %get3A_154 = arith.index_cast %scan3A_113 : i32 to index
          %get3A_155 = arith.constant 32 : index
          %get3A_156 = tpu.vector_load %arg8[%get3A_154, %get3A_155] {strides = array<i32>} : memref<512x64xf32, #tpu.memory_space<vmem>>, vector<1x16xf32>,
          %get3A_157 = vector.shape_cast %get3A_156 : vector<1x16xf32> to vector<16xf32>
          %add3A_158 = arith.addf %get3A_153, %get3A_157 : vector<16xf32>
          %swap3A_159 = arith.constant 1 : i32
          %swap3A_160 = arith.index_cast %swap3A_159 : i32 to index
          %swap3A_161 = arith.index_cast %scan3A_113 : i32 to index
          %swap3A_162 = arith.constant 32 : index
          %swap3A_163 = tpu.vector_load %arg7[%swap3A_160, %swap3A_161, %swap3A_162] {strides = array<i32>} : memref<2x512x64xf32, #tpu.memory_space<vmem>>, vector<1x1x16xf32>,
          %swap3A_164 = vector.shape_cast %swap3A_163 : vector<1x1x16xf32> to vector<16xf32>
          %swap3A_165 = vector.shape_cast %add3A_158 : vector<16xf32> to vector<1x1x16xf32>
          tpu.vector_store %arg7[%swap3A_160, %swap3A_161, %swap3A_162], %swap3A_165 {strides = array<i32>} : memref<2x512x64xf32, #tpu.memory_space<vmem>>, vector<1x1x16xf32>,
          %get3A_166 = arith.constant 1 : i32
          %get3A_167 = arith.index_cast %get3A_166 : i32 to index
          %get3A_168 = arith.index_cast %scan3A_113 : i32 to index
          %get3A_169 = arith.constant 48 : index
          %get3A_170 = tpu.vector_load %arg7[%get3A_167, %get3A_168, %get3A_169] {strides = array<i32>} : memref<2x512x64xf32, #tpu.memory_space<vmem>>, vector<1x1x16xf32>,
          %get3A_171 = vector.shape_cast %get3A_170 : vector<1x1x16xf32> to vector<16xf32>
          %get3A_172 = arith.index_cast %scan3A_113 : i32 to index
          %get3A_173 = arith.constant 48 : index
          %get3A_174 = tpu.vector_load %arg8[%get3A_172, %get3A_173] {strides = array<i32>} : memref<512x64xf32, #tpu.memory_space<vmem>>, vector<1x16xf32>,
          %get3A_175 = vector.shape_cast %get3A_174 : vector<1x16xf32> to vector<16xf32>
          %add3A_176 = arith.addf %get3A_171, %get3A_175 : vector<16xf32>
          %swap3A_177 = arith.constant 1 : i32
          %swap3A_178 = arith.index_cast %swap3A_177 : i32 to index
          %swap3A_179 = arith.index_cast %scan3A_113 : i32 to index
          %swap3A_180 = arith.constant 48 : index
          %swap3A_181 = tpu.vector_load %arg7[%swap3A_178, %swap3A_179, %swap3A_180] {strides = array<i32>} : memref<2x512x64xf32, #tpu.memory_space<vmem>>, vector<1x1x16xf32>,
          %swap3A_182 = vector.shape_cast %swap3A_181 : vector<1x1x16xf32> to vector<16xf32>
          %swap3A_183 = vector.shape_cast %add3A_176 : vector<16xf32> to vector<1x1x16xf32>
          tpu.vector_store %arg7[%swap3A_178, %swap3A_179, %swap3A_180], %swap3A_183 {strides = array<i32>} : memref<2x512x64xf32, #tpu.memory_space<vmem>>, vector<1x1x16xf32>,
        }
        %scan3A_96 = arith.constant 512 : i32
        %mul3A_97 = arith.constant 512 : i32
        %mul3A_98 = arith.muli %add3A_62, %mul3A_97 : i32
        %add3A_99 = arith.addi %mul3A_2, %mul3A_98 : i32
        %dma_start3A_100 = arith.constant 1 : i32
        %dma_start3A_101 = arith.constant 0 : i32
        %dma_start3A_102 = arith.constant 0 : i32
        %dma_start3A_103 = tpu.memref_slice %arg7[%dma_start3A_100, %dma_start3A_101, %dma_start3A_102] : memref<2x512x64xf32, #tpu.memory_space<vmem>> -> memref<1x512x64xf32, #tpu.memory_space<vmem>>
        %dma_start3A_104 = tpu.memref_squeeze %dma_start3A_103 : memref<1x512x64xf32, #tpu.memory_space<vmem>> -> memref<512x64xf32, #tpu.memory_space<vmem>>
        %dma_start3A_105 = arith.constant 0 : i32
        %dma_start3A_106 = tpu.memref_slice %arg5[%add3A_99, %dma_start3A_105] : memref<524288x64xf32, #tpu.memory_space<hbm>> -> memref<512x64xf32, #tpu.memory_space<hbm>>
        %dma_start3A_107 = arith.constant 0 : i32
        %dma_start3A_108 = tpu.memref_slice %arg5[%add3A_99, %dma_start3A_107] : memref<524288x64xf32, #tpu.memory_space<hbm>> -> memref<512x64xf32, #tpu.memory_space<hbm>>
        %dma_start3A_109 = arith.constant 0 : i32
        %dma_start3A_110 = arith.constant 0 : i32
        %dma_start3A_111 = tpu.memref_slice %arg7[%dma_start3A_100, %dma_start3A_109, %dma_start3A_110] : memref<2x512x64xf32, #tpu.memory_space<vmem>> -> memref<1x512x64xf32, #tpu.memory_space<vmem>>
        %dma_start3A_112 = tpu.memref_squeeze %dma_start3A_111 : memref<1x512x64xf32, #tpu.memory_space<vmem>> -> memref<512x64xf32, #tpu.memory_space<vmem>>
        tpu.enqueue_dma source(%dma_start3A_112 : memref<512x64xf32, #tpu.memory_space<vmem>>) target(%dma_start3A_108 : memref<512x64xf32, #tpu.memory_space<hbm>>) target_semaphore(%arg12 : memref<!tpu.dma_semaphore, #tpu.memory_space<semaphore_mem>>)
      } else {
      }
      %scan3A_68 = arith.constant 0 : i32
      scf.yield %scan3A_68 : i32
    }
    %scan3A_21 = arith.constant 16 : i32
    %dma_wait3A = arith.constant 0 : i32
    %dma_wait3A_22 = arith.constant 0 : i32
    %dma_wait3A_23 = arith.constant 0 : i32
    %dma_wait3A_24 = tpu.memref_slice %arg7[%dma_wait3A, %dma_wait3A_22, %dma_wait3A_23] : memref<2x512x64xf32, #tpu.memory_space<vmem>> -> memref<1x512x64xf32, #tpu.memory_space<vmem>>
    %dma_wait3A_25 = tpu.memref_squeeze %dma_wait3A_24 : memref<1x512x64xf32, #tpu.memory_space<vmem>> -> memref<512x64xf32, #tpu.memory_space<vmem>>
    %dma_wait3A_26 = arith.constant 0 : i32
    %dma_wait3A_27 = arith.constant 0 : i32
    %dma_wait3A_28 = tpu.memref_slice %arg5[%dma_wait3A_26, %dma_wait3A_27] : memref<524288x64xf32, #tpu.memory_space<hbm>> -> memref<512x64xf32, #tpu.memory_space<hbm>>
    %dma_wait3A_29 = arith.constant 0 : i32
    %dma_wait3A_30 = arith.constant 0 : i32
    %dma_wait3A_31 = tpu.memref_slice %arg5[%dma_wait3A_29, %dma_wait3A_30] : memref<524288x64xf32, #tpu.memory_space<hbm>> -> memref<512x64xf32, #tpu.memory_space<hbm>>
    %dma_wait3A_32 = arith.constant 0 : i32
    %dma_wait3A_33 = arith.constant 0 : i32
    %dma_wait3A_34 = tpu.memref_slice %arg7[%dma_wait3A, %dma_wait3A_32, %dma_wait3A_33] : memref<2x512x64xf32, #tpu.memory_space<vmem>> -> memref<1x512x64xf32, #tpu.memory_space<vmem>>
    %dma_wait3A_35 = tpu.memref_squeeze %dma_wait3A_34 : memref<1x512x64xf32, #tpu.memory_space<vmem>> -> memref<512x64xf32, #tpu.memory_space<vmem>>
    tpu.wait_dma2 semaphore(%arg11 : memref<!tpu.dma_semaphore, #tpu.memory_space<semaphore_mem>>) src(%dma_wait3A_35 : memref<512x64xf32, #tpu.memory_space<vmem>>) dst(%dma_wait3A_31 : memref<512x64xf32, #tpu.memory_space<hbm>>)
    %dma_wait3A_36 = arith.constant 1 : i32
    %dma_wait3A_37 = arith.constant 0 : i32
    %dma_wait3A_38 = arith.constant 0 : i32
    %dma_wait3A_39 = tpu.memref_slice %arg7[%dma_wait3A_36, %dma_wait3A_37, %dma_wait3A_38] : memref<2x512x64xf32, #tpu.memory_space<vmem>> -> memref<1x512x64xf32, #tpu.memory_space<vmem>>
    %dma_wait3A_40 = tpu.memref_squeeze %dma_wait3A_39 : memref<1x512x64xf32, #tpu.memory_space<vmem>> -> memref<512x64xf32, #tpu.memory_space<vmem>>
    %dma_wait3A_41 = arith.constant 0 : i32
    %dma_wait3A_42 = arith.constant 0 : i32
    %dma_wait3A_43 = tpu.memref_slice %arg5[%dma_wait3A_41, %dma_wait3A_42] : memref<524288x64xf32, #tpu.memory_space<hbm>> -> memref<512x64xf32, #tpu.memory_space<hbm>>
    %dma_wait3A_44 = arith.constant 0 : i32
    %dma_wait3A_45 = arith.constant 0 : i32
    %dma_wait3A_46 = tpu.memref_slice %arg5[%dma_wait3A_44, %dma_wait3A_45] : memref<524288x64xf32, #tpu.memory_space<hbm>> -> memref<512x64xf32, #tpu.memory_space<hbm>>
    %dma_wait3A_47 = arith.constant 0 : i32
    %dma_wait3A_48 = arith.constant 0 : i32
    %dma_wait3A_49 = tpu.memref_slice %arg7[%dma_wait3A_36, %dma_wait3A_47, %dma_wait3A_48] : memref<2x512x64xf32, #tpu.memory_space<vmem>> -> memref<1x512x64xf32, #tpu.memory_space<vmem>>
    %dma_wait3A_50 = tpu.memref_squeeze %dma_wait3A_49 : memref<1x512x64xf32, #tpu.memory_space<vmem>> -> memref<512x64xf32, #tpu.memory_space<vmem>>
    tpu.wait_dma2 semaphore(%arg12 : memref<!tpu.dma_semaphore, #tpu.memory_space<semaphore_mem>>) src(%dma_wait3A_50 : memref<512x64xf32, #tpu.memory_space<vmem>>) dst(%dma_wait3A_46 : memref<512x64xf32, #tpu.memory_space<hbm>>)
    return
  }
}

</mosaic_0001>

<sc_bundles>
// kernel: kernel.3.cloned.1.call-start
scs
__scs_entry_jumppad:
0x0: {  	(pc) =	sbr.rel $0x88, $3  }
0x1: {  	(tag) =	ssettag $0x0;
	lr =	simm.s32 $0x1  }
0x2: {  	[smem:$0x3F9F] =	sst lr;
	_ =	strace $0xD0000000  }
0x3: {  	_ = 	snop  }
0x4: {  	_ = 	snop  }
0x5: {  	_ = 	snop  }
0x6: {  	_ = 	snop  }
0x7: {  	_ = 	snop  }
__scs_overlays_trampoline_lowered:
0x8: {  	[smem:$0x3FAE] =	sst s0  }
0x9: {  	[smem:$0x3FAF] =	sst s1  }
0xa: {  	[smem:$0x3FB0] =	sst s2  }
0xb: {  	[smem:$0x3FB1] =	sst s3  }
0xc: {  	[smem:$0x3FB2] =	sst s4  }
0xd: {  	[smem:$0x3FB3] =	sst s5  }
0xe: {  	[smem:$0x3FB4] =	sst s6  }
0xf: {  	[smem:$0x3FB5] =	sst s7  }
0x10: {  	[smem:$0x3FB6] =	sst s8  }
0x11: {  	[smem:$0x3FB7] =	sst s9;
	s0 =	simm.s32 @!p0 $0x0  }
0x12: {  	s1 =	sld [smem:$0x3F9D];
	s0 =	simm.s32 @p0 $0x1  }
0x13: {  	[smem:$0x3FB8] =	sst s0;
	s0 =	simm.s32 @!p1 $0x0  }
0x14: {  	s2 =	sld [smem:$0x3F9C];
	s0 =	simm.s32 @p1 $0x1  }
0x15: {  	[smem:$0x3FB9] =	sst s0;
	s0 =	simm.s32 @!p2 $0x0  }
0x16: {  	s3 =	sld [smem:$0x3FDB];
	s0 =	simm.s32 @p2 $0x1  }
0x17: {  	s4 =	simm.s32 $0x1BF5;
	[smem:$0x3FBB] =	sst s0  }
0x18: {  	s0 =	sld [smem:$0x3F9E];
	_ =	swait.ge [sflag:s4], $0x0  }
0x19: {  	s7 =	sld [smem:$0x3F9F]  }
0x1a: {  	s8 =	sadd.s32 $0xFFFFE003, lr  }
0x1b: {  	s9 =	sadd.s32 $0xFFFFFEF7, lr;
	s5 =	simm.s32 $0xFFFFFFFF;
	p2 =	slt.u32 s8, $0xFFFFF086  }
0x1c: {  	p1 =	slt.u32 s9, $0xF7A;
	s5 =	simm.s32 @!p2 $0x0  }
0x1d: {  	s5 =	simm.s32 @p1 $0x1;
	p0 =	seq.s32 s7, s2  }
0x1e: {  	s7 =	smul.u32 @!p0 $0xF7A, s2;
	p2 =	seq.s32 @!p0 s5, $0x0  }
0x1f: {  	s9 =	smul.u32 $0xF7A, s1;
	s8 =	simm.s32 @!p0 $0x1BF5;
	p2 =	por !p2, p0  }
0x20: {  	[sflag:s8] =	ssyncset.s32 @!p0 $0xFFFFF086;
	s6 =	sadd.s32 @!p0 s3, s7;
	s7 =	simm.s32 @!p0 $0x108  }
0x21: {  	s3 =	sadd.s32 s3, s9;
	s6 =	sadd.s32 @!p0 $0x88, s6;
	s7 =	simm.s32 @p2 $0x1082  }
0x22: {  	[simem:s7], [sflag:s8] =	dma.local @!p0 [hbm:s6], $0xF7A  }
0x23: {  	s9 =	sor.u32 $0xD0000000, s2;
	s6 =	simm.s32 $0x108;
	_ =	swait.ge @!p0 [sflag:s8], $0x0  }
0x24: {  	s3 =	sadd.s32 $0x88, s3;
	s6 =	simm.s32 @!p1 $0x1082;
	[sflag:s4] =	ssyncset.s32 $0xFFFFF086  }
0x25: {  	[simem:s6], [sflag:s4] =	dma.local [hbm:s3], $0xF7A  }
0x26: {  	[smem:$0x3F9F] =	sst s1;
	(tag) =	ssettag s2;
	_ =	strace s9  }
0x27: {  	s1 =	sld [smem:$0x3FAF]  }
0x28: {  	s2 =	sld [smem:$0x3FB0]  }
0x29: {  	s4 =	sld [smem:$0x3FB2]  }
0x2a: {  	p0 =	seq.s32 s5, $0x0;
	s5 =	sld [smem:$0x3FB3]  }
0x2b: {  	s6 =	sld [smem:$0x3FB4]  }
0x2c: {  	s7 =	sld [smem:$0x3FB5]  }
0x2d: {  	s3 =	simm.s32 $0x108;
	s8 =	sld [smem:$0x3FB6]  }
0x2e: {  	s3 =	simm.s32 @!p0 $0x1082;
	s9 =	sld [smem:$0x3FB7]  }
0x2f: {  	lr =	sadd.s32 s0, s3;
	s0 =	sld [smem:$0x3FAE]  }
0x30: {  	s3 =	sld [smem:$0x3FB1]  }
0x31: {  	[smem:$0x3FBA] =	sst s10  }
0x32: {  	s10 =	sld [smem:$0x3FB8];
	_ =	sdelay $0x3  }
0x33: {  	p0 =	seq.s32 s10, $0x1;
	s10 =	sld [smem:$0x3FBA];
	_ =	sdelay $0x3  }
0x34: {  	[smem:$0x3FBA] =	sst s10  }
0x35: {  	s10 =	sld [smem:$0x3FB9];
	_ =	sdelay $0x3  }
0x36: {  	p1 =	seq.s32 s10, $0x1;
	s10 =	sld [smem:$0x3FBA];
	_ =	sdelay $0x3  }
0x37: {  	[smem:$0x3FBA] =	sst s10  }
0x38: {  	s10 =	sld [smem:$0x3FBB]  }
0x39: {  	_ = 	snop;
	(pc) =	sbr.ind lr, $3  }
0x3a: {  	_ = 	snop  }
0x3b: {  	_ = 	snop  }
0x3c: {  	p2 =	seq.s32 s10, $0x1;
	s10 =	sld [smem:$0x3FBA]  }
0x3d: {  	_ =	shalt  }
0x3e: {  	_ =	shalt  }
0x3f: {  	_ =	shalt  }
0x40: {  	_ =	shalt  }
0x41: {  	_ =	shalt  }
0x42: {  	_ =	shalt  }
0x43: {  	_ =	shalt  }
0x44: {  	_ =	shalt  }
0x45: {  	_ =	shalt  }
0x46: {  	_ =	shalt  }
0x47: {  	_ =	shalt  }
0x48: {  	_ =	shalt  }
0x49: {  	_ =	shalt  }
0x4a: {  	_ =	shalt  }
0x4b: {  	_ =	shalt  }
0x4c: {  	_ =	shalt  }
0x4d: {  	_ =	shalt  }
0x4e: {  	_ =	shalt  }
0x4f: {  	_ =	shalt  }
0x50: {  	_ =	shalt  }
0x51: {  	_ =	shalt  }
0x52: {  	_ =	shalt  }
0x53: {  	_ =	shalt  }
0x54: {  	_ =	shalt  }
0x55: {  	_ =	shalt  }
0x56: {  	_ =	shalt  }
0x57: {  	_ =	shalt  }
0x58: {  	_ =	shalt  }
0x59: {  	_ =	shalt  }
0x5a: {  	_ =	shalt  }
0x5b: {  	_ =	shalt  }
0x5c: {  	_ =	shalt  }
0x5d: {  	_ =	shalt  }
0x5e: {  	_ =	shalt  }
0x5f: {  	_ =	shalt  }
0x60: {  	_ =	shalt  }
0x61: {  	_ =	shalt  }
0x62: {  	_ =	shalt  }
0x63: {  	_ =	shalt  }
0x64: {  	_ =	shalt  }
0x65: {  	_ =	shalt  }
0x66: {  	_ =	shalt  }
0x67: {  	_ =	shalt  }
0x68: {  	_ =	shalt  }
0x69: {  	_ =	shalt  }
0x6a: {  	_ =	shalt  }
0x6b: {  	_ =	shalt  }
0x6c: {  	_ =	shalt  }
0x6d: {  	_ =	shalt  }
0x6e: {  	_ =	shalt  }
0x6f: {  	_ =	shalt  }
0x70: {  	_ =	shalt  }
0x71: {  	_ =	shalt  }
0x72: {  	_ =	shalt  }
0x73: {  	_ =	shalt  }
0x74: {  	_ =	shalt  }
0x75: {  	_ =	shalt  }
0x76: {  	_ =	shalt  }
0x77: {  	_ =	shalt  }
0x78: {  	_ =	shalt  }
0x79: {  	_ =	shalt  }
0x7a: {  	_ =	shalt  }
0x7b: {  	_ =	shalt  }
0x7c: {  	_ =	shalt  }
0x7d: {  	_ =	shalt  }
0x7e: {  	_ =	shalt  }
0x7f: {  	_ =	shalt  }
0x80: {  	_ =	shalt  }
0x81: {  	_ =	shalt  }
0x82: {  	_ =	shalt  }
0x83: {  	_ =	shalt  }
0x84: {  	_ =	shalt  }
0x85: {  	_ =	shalt  }
0x86: {  	_ =	shalt  }
0x87: {  	_ =	shalt  }
.Lfunc_end0:
.L_simem_size_0:
called_computation.1_lowered:
.L_overlay_start_0:
0x88: {  	s2 =	sld [smem:$0x3FD9]  }
0x89: {  	s3 =	sld [smem:$0x3FFE];
	_ =	sdelay $0x1  }
0x8a: {  	s1 =	srdreg.scid  }
0x8b: {  	s0 =	sand.u32 $0x1, s1  }
0x8c: {  	s17 =	sshll.u32 s0, $0xA;
	s2 =	sadd.s32 s3, s2  }
0x8d: {  	s2 =	sadd.s32 s2, s17  }
0x8e: {  	[smem:$0x3FC6] =	sst s2  }
0x8f: {  	_ = 	snop  }
0x90: {  	s2 =	sld [smem:$0x3FD0];
	(tm) =	ssettm $0x1  }
0x91: {  	s18 =	sld [smem:$0x3FFB];
	_ =	sdelay $0x3  }
0x92: {  	_ =	strace s18  }
0x93: {  	s3 =	sld [smem:$0x3FFC];
	_ =	sdelay $0x3  }
0x94: {  	_ =	strace s3  }
0x95: {  	s3 =	sld [smem:$0x3FFD];
	_ =	sdelay $0x3  }
0x96: {  	_ =	strace s3  }
0x97: {  	_ =	strace $0x8FFFFFFF  }
0x98: {  	s19 =	sld [smem:$0x3FDB];
	_ =	sdelay $0x1  }
0x99: {  	s4 =	simm.s32 $_scs_section_size  }
0x9a: {  	s5 =	simm.s32 $_size__tile_overlayer_lowered;
	s6 =	simm.s32 $_tile_overlayer_lowered  }
0x9b: {  	s22 =	simm.s32 $0x1BFF;
	s21 =	sshll.u32 s6, $0x1;
	s3 =	sadd.s32 s4, s19  }
0x9c: {  	s7 =	simm.s32 $0x0;
	s20 =	sshll.u32 s5, $0x1;
	s5 =	sadd.s32 s21, s3  }
0x9d: {  	[timem:s7], [sflag:s22] =	dma.local [hbm:s5], s20  }
0x9e: {  	_ =	swait.ge [sflag:s22], s20  }
0x9f: {  	s4 =	ssub.s32 $0x0, s20;
	[sflag:s22] =	ssyncset.done $0x0  }
0xa0: {  	[sflag:s22] =	ssyncadd.s32 s4;
	_ =	sdelay $0x1  }
0xa1: {  	s23 =	simm.s32 $0x1B8B  }
0xa2: {  	_ =	swait.ge [sflag:s23], $0x1  }
0xa3: {  	[sflag:s23] =	ssyncset.done $0x0  }
0xa4: {  	s25 =	simm.s32 $0x1B8E;
	s24 =	sld [smem:$0x3FFE];
	[sflag:s23] =	ssyncadd.s32 $0xFFFFFFFF  }
0xa5: {  	s26 =	simm.s32 $execute0_lowered;
	[smem:$0x3FD2] =	sst s25  }
0xa6: {  	s5 =	sshll.u32 s26, $0x1;
	_ =	strace $0x80000046;
	[dreg:$0x1] =	wrdreg $0xFFFFFFFF  }
0xa7: {  	s28 =	simm.s32 $_size_execute0_lowered;
	s3 =	sadd.s32 s3, s5;
	[dreg:$0x0] =	wrdreg $0x0  }
0xa8: {  	s5 =	sshll.u32 s28, $0x1;
	[dreg:$0x2] =	wrdreg s3  }
0xa9: {  	[dreg:$0x3] =	wrdreg s5  }
0xaa: {  	[dreg:$0x4] =	wrdreg $0xC0  }
0xab: {  	_ =	task [dreg:s7], $0x5FFFF  }
0xac: {  	[dreg:$0x1] =	wrdreg $0xFFFFFFFF  }
0xad: {  	[dreg:$0x0] =	wrdreg $0x60  }
0xae: {  	[dreg:$0x2] =	wrdreg s24  }
0xaf: {  	[dreg:$0x3] =	wrdreg s2  }
0xb0: {  	[dreg:$0x4] =	wrdreg $0x9  }
0xb1: {  	_ =	task.clear_ibuf [dreg:s7], $0x5FFFF;
	_ =	strace $0x90000046  }
0xb2: {  	s29 =	simm.s32 $0x9;
	_ =	strace $0x80000048  }
0xb3: {  	_ =	swait.ge [sflag:s29], $0x1  }
0xb4: {  	[sflag:s29] =	ssyncadd.s32 $0xFFFFFFFF  }
0xb5: {  	_ =	strace $0x90000048  }
0xb6: {  	_ =	sfence  }
0xb7: {  	s30 =	sld [smem:$0x0];
	_ =	sdelay $0x2  }
0xb8: {  	s31 =	sshll.u32 s1, $0xD;
	s1 =	sshrl.u32 s1, $0x2  }
0xb9: {  	s3 =	sand.u32 $0x4000, s31;
	s1 =	sadd.s32 s1, s30  }
0xba: {  	s0 =	sor.u32 s3, s0;
	s1 =	sshll.u32 s1, $0x11  }
0xbb: {  	s0 =	sor.u32 s1, s0  }
0xbc: {  	s0 =	sadd.s32 $0x8F2B, s0  }
0xbd: {  	[sflag:s0] =	ssyncadd.remote.s32 $0x1  }
0xbe: {  	_ =	sfence.sel $0xFFFF  }
0xbf: {  	[dreg:$0x0] =	wrdreg $0xFFFFFFFF;
	(pc) =	sbr.abs _section_cstart, $3  }
0xc0: {  	[dreg:$0x1] =	wrdreg $0xFFFFFFFF  }
0xc1: {  	_ =	task.clear_ibuf [dreg:s7], $0x2FFFF;
	_ =	strace $0x9FFFFFFF  }
0xc2: {  	(tm) =	ssettm $0x7FFFFFFF  }
0xc3: {  	_ =	shalt  }
tec
execute0_lowered:
.L_overlay_start_1:
0x0: {  	(tag) =	ssettag $0x1  }
0x1: {  	s7 =	rddreg [dreg:$0x0]  }
0x2: {  	s1 =	rddreg [dreg:$0x1]  }
0x3: {  	s0 =	rddreg [dreg:$0x2];
	s2 =	simm.s32 $0x0  }
0x4: {  	s5 =	srdreg.scid;
	s3 =	stileid.u32;
	s13 =	simm.s32 $0x10400  }
0x5: {  	s14 =	simm.s32 $0x5;
	s15 =	simm.s32 $0x200;
	s16 =	simm.s32 $0x400  }
0x6: {  	s17 =	simm.s32 $0x8400;
	s18 =	simm.s32 $0x1;
	s19 =	simm.s32 $0x2  }
0x7: {  	s20 =	simm.s32 $0x3;
	s21 =	simm.s32 $0x4;
	s22 =	simm.s32 $0x0  }
0x8: {  	[smem:$0x7FF] =	sst s2;
	s4 =	sadd.s32 $0xC00, s7;
	s5 =	sand.u32 $0x1, s5  }
0x9: {  	s6 =	sshll.u32 s3, $0xF;
	s11 =	sadd.s32 $0x1000, s1;
	_ =	strace $0x80000047  }
0xa: {  	s8 =	ssub.s32 $0x2, s5;
	s9 =	sshll.u32 s5, $0xE;
	s5 =	sadd.s32 $0xF43000, s7  }
0xb: {  	s7 =	sadd.s32 $0x10C00, s7;
	s10 =	sshrl.u32 s8, $0x1;
	s6 =	sor.u32 s9, s6  }
0xc: {  	s12 =	ssub.s32 s8, s10;
	s31 =	sshrl.u32 s6, $0x3;
	s9 =	sshll.u32 s6, $0x3  }
0xd: {  	s10 =	sor.u32 $0x400, s6;
	s8 =	sadd.s32 s4, s31;
	s12 =	smax.u32 s12, $0x1  }
.LBB2_1:
0xe: {  	[tilespmem:s13], [sflag:$0x5] =	stream.linear.gather [hbm4b:s7+s2], $0x8000, $0x38;
	[tilespmem:$0x18400] =	vst v63  }
0xf: {  	_ =	swait.ge [sflag:s14], $0x8000  }
0x10: {  	[sflag:s14] =	ssyncset.done $0x0  }
0x11: {  	[sflag:s14] =	ssyncadd.s32 $0xFFFF8000  }
0x12: {  	[tilespmem:s2], [sflag:$0x5] =	stream.linear.gather [hbm4b:s8+s2], $0x200, $0x38;
	[tilespmem:$0x18400] =	vst v63  }
0x13: {  	_ =	swait.ge [sflag:s14], $0x200  }
0x14: {  	[sflag:s14] =	ssyncset.done $0x0  }
0x15: {  	s23 =	simm.s32 $0x0;
	[sflag:s14] =	ssyncadd.s32 $0xFFFFFE00  }
0x16: {  	[tilespmem:s16], [sflag:$0x1] =	stream.indirect.gather [hbm4b:s5+s15], $0x40, s2, s15, $0xb8;
	[tilespmem:$0x18400] =	vst v63  }
.LBB2_2:
0x17: {  	p0 =	seq.s32 s23, $0x0;
	s24 =	sshll.u32 s23, $0xA  }
0x18: {  	s25 =	simm.s32 @!p0 $0x4;
	s26 =	sor.u32 s24, s6  }
0x19: {  	_ =	swait.ge @!p0 [sflag:s25], $0x8000;
	s26 =	sshrl.u32 s26, $0x3  }
0x1a: {  	[sflag:s25] =	ssyncset.done @!p0 $0x0;
	s26 =	sadd.s32 s26, s4  }
0x1b: {  	s31 =	simm.s32 $0x0;
	[sflag:s25] =	ssyncadd.s32 @!p0 $0xFFFF8000;
	s30 =	sadd.s32 $0x40, s26  }
0x1c: {  	[tilespmem:s15], [sflag:$0x5] =	stream.linear.gather [hbm4b:s30+s31], $0x200, $0x38;
	[tilespmem:$0x18400] =	vst v63  }
0x1d: {  	_ =	swait.ge [sflag:s14], $0x200  }
0x1e: {  	[sflag:s14] =	ssyncset.done $0x0  }
0x1f: {  	[sflag:s14] =	ssyncadd.s32 $0xFFFFFE00  }
0x20: {  	[tilespmem:s17], [sflag:$0x2] =	stream.indirect.gather [hbm4b:s5+s15], $0x40, s15, s15, $0xb8;
	[tilespmem:$0x18400] =	vst v63  }
0x21: {  	_ =	swait.ge [sflag:s18], $0x8000  }
0x22: {  	[sflag:s18] =	ssyncset.done $0x0  }
0x23: {  	s26 =	simm.s32 $0x0;
	[sflag:s18] =	ssyncadd.s32 $0xFFFF8000  }
0x24: {  	v5 =	vld [tilespmem:s26+$0x10400]  }
0x25: {  	v6 =	vld [tilespmem:s26+$0x10410]  }
0x26: {  	v1 =	vld [tilespmem:s26+$0x10420]  }
0x27: {  	v0 =	vld [tilespmem:s26+$0x10430]  }
0x28: {  	v2 =	vld [tilespmem:s26+$0x400]  }
0x29: {  	v3 =	vld [tilespmem:s26+$0x410]  }
0x2a: {  	s28 =	simm.s32 $0x100;
	s25 =	sshll.u32 s23, $0xD;
	v4 =	vld [tilespmem:s26+$0x420]  }
.LBB2_3:
0x2b: {  	s29 =	sshra.s32 s28, $0x2;
	p0 =	sne.s32 s28, $0x1FF00;
	v7 =	vld [tilespmem:s26+$0x430];
	v8 =	vmov v1  }
0x2c: {  	v9 =	vld [tilespmem:s29+$0x10400];
	v10 =	vmov v0  }
0x2d: {  	v11 =	vld [tilespmem:s29+$0x10410];
	v2 =	vadd.f32 v5, v2  }
.Ltmp0:
0x2e: {  	v1 =	vld [tilespmem:s29+$0x10420];
	v3 =	vadd.f32 v6, v3;
	(pc) =	sbr.rel @p0 .LBB2_3-.Ltmp0, $4  }
0x2f: {  	v0 =	vld [tilespmem:s29+$0x10430];
	[tilespmem:s26+$0x400] =	vst v2;
	v4 =	vadd.f32 v8, v4  }
0x30: {  	v2 =	vld [tilespmem:s29+$0x400];
	[tilespmem:s26+$0x410] =	vst v3;
	v7 =	vadd.f32 v10, v7  }
0x31: {  	v3 =	vld [tilespmem:s29+$0x410];
	[tilespmem:s26+$0x420] =	vst v4;
	v5 =	vmov v9  }
0x32: {  	s28 =	sadd.s32 $0x100, s28;
	v4 =	vld [tilespmem:s29+$0x420];
	[tilespmem:s26+$0x430] =	vst v7;
	v6 =	vmov v11;
	s26 =	smov.u32 s29  }
0x33: {  	v7 =	vld [tilespmem:s26+$0x430];
	_ =	sdelay $0x1  }
0x34: {  	v2 =	vadd.f32 v5, v2  }
0x35: {  	v3 =	vadd.f32 v6, v3  }
0x36: {  	[tilespmem:s26+$0x400] =	vst v2;
	v1 =	vadd.f32 v1, v4  }
0x37: {  	[tilespmem:s26+$0x410] =	vst v3;
	v0 =	vadd.f32 v0, v7  }
0x38: {  	s25 =	sadd.s32 s9, s25;
	p0 =	seq.s32 s23, $0xF;
	[tilespmem:s26+$0x420] =	vst v1  }
0x39: {  	s31 =	sadd.s32 s1, s25;
	[tilespmem:s26+$0x430] =	vst v0;
	s26 =	simm.s32 @!p0 $0x3  }
0x3a: {  	[hbm4b:s31+s2] =	stream.linear.scatter [tilespmem:s16], [sflag:$0x3], $0x8000, $0x38;
	[tilespmem:$0x18400] =	vst v63  }
0x3b: {  	s24 =	sadd.s32 @!p0 s24, s10;
	_ =	swait.ge @!p0 [sflag:s26], $0x8000  }
0x3c: {  	s24 =	sshrl.u32 @!p0 s24, $0x3;
	[sflag:s26] =	ssyncset.done @!p0 $0x0  }
0x3d: {  	s24 =	sadd.s32 @!p0 s4, s24;
	[sflag:s26] =	ssyncadd.s32 @!p0 $0xFFFF8000;
	s26 =	simm.s32 @!p0 $0x0  }
0x3e: {  	[tilespmem:s26], [sflag:$0x5] =	stream.linear.gather @!p0 [hbm4b:s24+s26], $0x200, $0x38;
	[tilespmem:$0x18400] =	vst v63  }
0x3f: {  	s24 =	simm.s32 @!p0 $0x5  }
0x40: {  	_ =	swait.ge @!p0 [sflag:s24], $0x200  }
0x41: {  	[sflag:s24] =	ssyncset.done @!p0 $0x0  }
0x42: {  	s28 =	simm.s32 @!p0 $0x400;
	[sflag:s24] =	ssyncadd.s32 @!p0 $0xFFFFFE00;
	s24 =	simm.s32 @!p0 $0x200  }
0x43: {  	[tilespmem:s28], [sflag:$0x1] =	stream.indirect.gather @!p0 [hbm4b:s5+s24], $0x40, s26, s24, $0xb8;
	[tilespmem:$0x18400] =	vst v63  }
0x44: {  	_ =	swait.ge [sflag:s19], $0x8000  }
0x45: {  	[sflag:s19] =	ssyncset.done $0x0  }
0x46: {  	s24 =	simm.s32 $0x0;
	[sflag:s19] =	ssyncadd.s32 $0xFFFF8000  }
0x47: {  	v5 =	vld [tilespmem:s24+$0x10400]  }
0x48: {  	v6 =	vld [tilespmem:s24+$0x10410]  }
0x49: {  	v1 =	vld [tilespmem:s24+$0x10420]  }
0x4a: {  	v0 =	vld [tilespmem:s24+$0x10430]  }
0x4b: {  	v2 =	vld [tilespmem:s24+$0x8400]  }
0x4c: {  	v4 =	vld [tilespmem:s24+$0x8410]  }
0x4d: {  	s26 =	simm.s32 $0x100;
	v3 =	vld [tilespmem:s24+$0x8420]  }
.LBB2_5:
0x4e: {  	s28 =	sshra.s32 s26, $0x2;
	p0 =	sne.s32 s26, $0x1FF00;
	v7 =	vld [tilespmem:s24+$0x8430];
	v8 =	vmov v1  }
0x4f: {  	v9 =	vld [tilespmem:s28+$0x10400];
	v10 =	vmov v0  }
0x50: {  	v11 =	vld [tilespmem:s28+$0x10410];
	v2 =	vadd.f32 v5, v2  }
.Ltmp1:
0x51: {  	v1 =	vld [tilespmem:s28+$0x10420];
	v4 =	vadd.f32 v6, v4;
	(pc) =	sbr.rel @p0 .LBB2_5-.Ltmp1, $4  }
0x52: {  	v0 =	vld [tilespmem:s28+$0x10430];
	[tilespmem:s24+$0x8400] =	vst v2;
	v3 =	vadd.f32 v8, v3  }
0x53: {  	v2 =	vld [tilespmem:s28+$0x8400];
	[tilespmem:s24+$0x8410] =	vst v4;
	v7 =	vadd.f32 v10, v7  }
0x54: {  	v4 =	vld [tilespmem:s28+$0x8410];
	[tilespmem:s24+$0x8420] =	vst v3;
	v5 =	vmov v9  }
0x55: {  	s26 =	sadd.s32 $0x100, s26;
	v3 =	vld [tilespmem:s28+$0x8420];
	[tilespmem:s24+$0x8430] =	vst v7;
	v6 =	vmov v11;
	s24 =	smov.u32 s28  }
0x56: {  	v7 =	vld [tilespmem:s24+$0x8430];
	_ =	sdelay $0x1  }
0x57: {  	s23 =	sadd.s32 $0x1, s23;
	v2 =	vadd.f32 v5, v2  }
0x58: {  	p0 =	sne.s32 s23, $0x10;
	v4 =	vadd.f32 v6, v4  }
.Ltmp2:
0x59: {  	[tilespmem:s24+$0x8400] =	vst v2;
	v1 =	vadd.f32 v1, v3;
	(pc) =	sbr.rel @p0 .LBB2_2-.Ltmp2, $4  }
0x5a: {  	[tilespmem:s24+$0x8410] =	vst v4;
	v0 =	vadd.f32 v0, v7  }
0x5b: {  	[tilespmem:s24+$0x8420] =	vst v1  }
0x5c: {  	s31 =	sadd.s32 s25, s11;
	[tilespmem:s24+$0x8430] =	vst v0  }
0x5d: {  	[hbm4b:s31+s2] =	stream.linear.scatter [tilespmem:s17], [sflag:$0x4], $0x8000, $0x38;
	[tilespmem:$0x18400] =	vst v63  }
0x5e: {  	s22 =	sadd.s32 $0x1, s22  }
0x5f: {  	_ =	swait.ge [sflag:s20], $0x8000;
	p0 =	sne.s32 s22, s12  }
.Ltmp3:
0x60: {  	[sflag:s20] =	ssyncset.done $0x0;
	(pc) =	sbr.rel @p0 .LBB2_1-.Ltmp3, $4  }
0x61: {  	[sflag:s20] =	ssyncadd.s32 $0xFFFF8000  }
0x62: {  	_ =	swait.ge [sflag:s21], $0x8000  }
0x63: {  	[sflag:s21] =	ssyncset.done $0x0  }
0x64: {  	[sflag:s21] =	ssyncadd.s32 $0xFFFF8000  }
0x65: {  	_ =	sfence.sel $0x180000  }
0x66: {  	[bflag:$0x0] =	sbarrier.arrive $0xFFFF  }
0x67: {  	p0 =	sne.s32 s3, $0x0;
	_ =	strace $0x90000047  }
0x68: {  	s0 =	sadd.s32 @!p0 $0x100000, s0;
	[bflag:$0x2] =	sbarrier.arrive $0xFFFF  }
0x69: {  	[sflag:s0] =	ssyncadd.tile.s32 @!p0 $0x1;
	_ =	shalt  }
.Lfunc_end2:
_tile_overlayer_lowered:
.L_overlay_start_2:
0x6a: {  	(tag) =	ssettag $0x2  }
0x6b: {  	s0 =	rddreg [dreg:$0x0];
	s2 =	stileid.u32  }
0x6c: {  	s1 =	rddreg [dreg:$0x1];
	p0 =	sne.s32 s2, $0x0  }
0x6d: {  	s3 =	rddreg [dreg:$0x2];
	[bflag:$0x3] =	sbarrier.arrive $0xFFFF;
	s2 =	simm.s32 @!p0 $0x1C05  }
0x6e: {  	[timem:s3], [sflag:s2] =	dma.local @!p0 [hbm:s0], s1  }
0x6f: {  	s0 =	simm.s32 @!p0 $0x5  }
0x70: {  	_ =	swait.ge @!p0 [sflag:s0], s1  }
0x71: {  	s1 =	ssub.s32 @!p0 $0x0, s1;
	[sflag:s0] =	ssyncset.done @!p0 $0x0  }
0x72: {  	[sflag:s0] =	ssyncadd.s32 @!p0 s1  }
0x73: {  	[bflag:$0x3] =	sbarrier.arrive $0xFFFF  }
0x74: {  	_ =	shalt  }

// kernel: sparse-core-data-format-call.cloned.1.call-start
scs
called_computation_lowered:
.L_overlay_start_0:
0x0: {  	s2 =	sld [smem:$0x3FD9]  }
0x1: {  	s3 =	sld [smem:$0x3FFE];
	_ =	sdelay $0x1  }
0x2: {  	s1 =	srdreg.scid  }
0x3: {  	s0 =	sand.u32 $0x1, s1  }
0x4: {  	s18 =	sshll.u32 s0, $0xA;
	s2 =	sadd.s32 s3, s2  }
0x5: {  	s2 =	sadd.s32 s2, s18  }
0x6: {  	[smem:$0x3FC6] =	sst s2  }
0x7: {  	_ = 	snop  }
0x8: {  	s2 =	sld [smem:$0x3FD0];
	(tm) =	ssettm $0x1  }
0x9: {  	s19 =	sld [smem:$0x3FFB];
	_ =	sdelay $0x3  }
0xa: {  	_ =	strace s19  }
0xb: {  	s3 =	sld [smem:$0x3FFC];
	_ =	sdelay $0x3  }
0xc: {  	_ =	strace s3  }
0xd: {  	s3 =	sld [smem:$0x3FFD];
	_ =	sdelay $0x3  }
0xe: {  	_ =	strace s3  }
0xf: {  	_ =	strace $0x8FFFFFFF  }
0x10: {  	s20 =	sld [smem:$0x3FDB];
	_ =	sdelay $0x1  }
0x11: {  	s4 =	simm.s32 $_scs_section_size  }
0x12: {  	s5 =	simm.s32 $_size__tile_overlayer_lowered;
	s6 =	simm.s32 $_tile_overlayer_lowered  }
0x13: {  	s23 =	simm.s32 $0x1BFF;
	s22 =	sshll.u32 s6, $0x1;
	s3 =	sadd.s32 s4, s20  }
0x14: {  	s7 =	simm.s32 $0x0;
	s21 =	sshll.u32 s5, $0x1;
	s5 =	sadd.s32 s22, s3  }
0x15: {  	[timem:s7], [sflag:s23] =	dma.local [hbm:s5], s21  }
0x16: {  	_ =	swait.ge [sflag:s23], s21  }
0x17: {  	s4 =	ssub.s32 $0x0, s21;
	[sflag:s23] =	ssyncset.done $0x0  }
0x18: {  	[sflag:s23] =	ssyncadd.s32 s4;
	_ =	sdelay $0x1  }
0x19: {  	s24 =	simm.s32 $0x1B8B  }
0x1a: {  	_ =	swait.ge [sflag:s24], $0x1  }
0x1b: {  	[sflag:s24] =	ssyncset.done $0x0  }
0x1c: {  	s26 =	simm.s32 $0x1B8E;
	s25 =	sld [smem:$0x3FFE];
	[sflag:s24] =	ssyncadd.s32 $0xFFFFFFFF  }
0x1d: {  	s27 =	simm.s32 $execute0_lowered;
	[smem:$0x3FD2] =	sst s26  }
0x1e: {  	s5 =	sshll.u32 s27, $0x1;
	_ =	strace $0x80000049;
	[dreg:$0x1] =	wrdreg $0xFFFFFFFF  }
0x1f: {  	s28 =	simm.s32 $_size_execute0_lowered;
	s3 =	sadd.s32 s3, s5;
	[dreg:$0x0] =	wrdreg $0x0  }
0x20: {  	s5 =	sshll.u32 s28, $0x1;
	[dreg:$0x2] =	wrdreg s3  }
0x21: {  	[dreg:$0x3] =	wrdreg s5  }
0x22: {  	[dreg:$0x4] =	wrdreg $0xC0  }
0x23: {  	_ =	task [dreg:s7], $0x5FFFF  }
0x24: {  	[dreg:$0x1] =	wrdreg $0xFFFFFFFF  }
0x25: {  	[dreg:$0x0] =	wrdreg $0x60  }
0x26: {  	[dreg:$0x2] =	wrdreg s25  }
0x27: {  	[dreg:$0x3] =	wrdreg s2  }
0x28: {  	[dreg:$0x4] =	wrdreg $0x9  }
0x29: {  	_ =	task.clear_ibuf [dreg:s7], $0x5FFFF;
	_ =	strace $0x90000049  }
0x2a: {  	s29 =	simm.s32 $0x9;
	_ =	strace $0x8000004B  }
0x2b: {  	_ =	swait.ge [sflag:s29], $0x1  }
0x2c: {  	[sflag:s29] =	ssyncadd.s32 $0xFFFFFFFF  }
0x2d: {  	_ =	strace $0x9000004B  }
0x2e: {  	_ =	sfence  }
0x2f: {  	s30 =	sld [smem:$0x0];
	_ =	sdelay $0x2  }
0x30: {  	s31 =	sshll.u32 s1, $0xD;
	s1 =	sshrl.u32 s1, $0x2  }
0x31: {  	s3 =	sand.u32 $0x4000, s31;
	s1 =	sadd.s32 s1, s30  }
0x32: {  	s0 =	sor.u32 s3, s0;
	s1 =	sshll.u32 s1, $0x11  }
0x33: {  	s0 =	sor.u32 s1, s0  }
0x34: {  	s0 =	sadd.s32 $0x8F2B, s0  }
0x35: {  	[sflag:s0] =	ssyncadd.remote.s32 $0x1  }
0x36: {  	_ =	sfence.sel $0xFFFF  }
0x37: {  	[dreg:$0x0] =	wrdreg $0xFFFFFFFF;
	(pc) =	sbr.abs _section_cstart, $3  }
0x38: {  	[dreg:$0x1] =	wrdreg $0xFFFFFFFF  }
0x39: {  	_ =	task.clear_ibuf [dreg:s7], $0x2FFFF;
	_ =	strace $0x9FFFFFFF  }
0x3a: {  	(tm) =	ssettm $0x7FFFFFFF  }
0x3b: {  	_ =	shalt  }
tec
execute0_lowered:
.L_overlay_start_1:
0x0: {  	(tag) =	ssettag $0x1  }
0x1: {  	s0 =	srdreg.scid  }
0x2: {  	s7 =	rddreg [dreg:$0x0];
	s1 =	sshll.u32 s0, $0x4  }
0x3: {  	s3 =	rddreg [dreg:$0x1];
	s0 =	stileid.u32;
	s1 =	sand.u32 $0x10, s1  }
0x4: {  	s6 =	simm.s32 $0x1;
	s31 =	simm.s32 $0x2;
	s1 =	sor.u32 s0, s1  }
0x5: {  	s13 =	simm.s32 $0x0;
	s9 =	simm.s32 $0x1000;
	s2 =	sshll.u32 s1, $0x1  }
0x6: {  	s14 =	simm.s32 $0x0;
	s10 =	simm.s32 $0x0;
	s4 =	ssub.s32 $0x400, s2  }
0x7: {  	s12 =	simm.s32 $0x0;
	s1 =	rddreg [dreg:$0x2];
	s5 =	sand.u32 $0x3E, s4  }
.Ltmp0:
0x8: {  	_ =	strace $0x8000004A;
	p0 =	sne.s32 s5, $0x0;
	(pc) =	sbr.rel .LBB1_1-.Ltmp0, $4  }
0x9: {  	s11 =	smov.u32 s2;
	s8 =	sshrl.u32 s4, $0x6;
	s6 =	simm.s32 @!p0 $0x0  }
0xa: {  	s4 =	sadd.s32 $0xC00, s7;
	s5 =	simm.s32 $0x1;
	s6 =	sadd.s32 s6, s8  }
0xb: {  	s7 =	sadd.s32 $0x2C00, s7;
	[sflag:s5] =	ssyncpa.u1 $0x0;
	s6 =	sshll.u32 s6, $0x2  }
0xc: {  	p0 =	por $0x0, $0x0;
	[sflag:s31] =	ssyncpa.u1 $0x0;
	s8 =	sor.u32 $0x1, s6  }
.LBB1_7:
0xd: {  	s15 =	sadd.s32 $0x80, s10  }
0xe: {  	s13 =	sadd.s32 $0x40, s11;
	s17 =	smov.u32 s11;
	p2 =	sgt.s32 s15, $0x1FF  }
0xf: {  	s17 =	smov.u32 @p2 s13  }
0x10: {  	s15 =	simm.s32 @p2 $0x0;
	p2 =	sgt.s32 s17, $0x3FF  }
0x11: {  	s17 =	smov.u32 @p2 s2;
	p2 =	sne.s32 s12, s8  }
.Ltmp1:
0x12: {  	p1 =	slt.u32 s12, $0x2;
	(pc) =	sbr.rel @!p2 .LBB1_8-.Ltmp1, $4  }
0x13: {  	s16 =	simm.s32 @!p1 $0x2  }
0x14: {  	s14 =	smov.u32 s11;
	p0 =	por !p0, !p0;
	_ =	swait.ge @!p1 [sflag:s16], $0x4000  }
0x15: {  	s13 =	smov.u32 s10;
	[sflag:s16] =	ssyncset.done @!p1 $0x0;
	s10 =	smov.u32 s15  }
0x16: {  	s12 =	sadd.s32 $0x1, s12;
	[sflag:s16] =	ssyncadd.s32 @!p1 $0xFFFFC000;
	s11 =	smov.u32 s17  }
.LBB1_1:
0x17: {  	p1 =	sge.u32 s12, s6  }
0x18: {  	s15 =	sxor.u32 @!p1 $0xFFFFFFFF, s12;
	s16 =	sshll.u32 @!p1 s11, $0xD  }
0x19: {  	s17 =	sshll.u32 @!p1 s10, $0x4;
	s19 =	simm.s32 @!p1 $0x40;
	s20 =	simm.s32 @!p1 $0x80  }
0x1a: {  	s15 =	sshll.u32 @!p1 s15, $0xE;
	s17 =	sand.u32 @!p1 $0x1FF0, s17;
	s18 =	sadd.s32 @!p1 s4, s16  }
0x1b: {  	s16 =	sadd.s32 @!p1 s16, s7;
	s15 =	sand.u32 @!p1 $0x4000, s15;
	s18 =	sadd.s32 @!p1 s17, s18  }
0x1c: {  	[tilespmem:s15], [sflag:$0x1] =	stream.strided.gather @!p1 [hbm4b:s18+s19], $0x2000, s20, s19, $0x38;
	[tilespmem:$0x10100] =	vst v63  }
0x1d: {  	s31 =	sadd.s32 $0xFFFFFFFF, s12;
	s16 =	sadd.s32 @!p1 s17, s16;
	s15 =	sor.u32 @!p1 $0x2000, s15  }
0x1e: {  	[tilespmem:s15], [sflag:$0x1] =	stream.strided.gather @!p1 [hbm4b:s16+s19], $0x2000, s20, s19, $0x38;
	[tilespmem:$0x10100] =	vst v63  }
0x1f: {  	p1 =	sge.u32 s31, s6  }
.Ltmp2:
0x20: {  	_ = 	snop;
	(pc) =	sbr.rel @p1 .LBB1_7-.Ltmp2, $1  }
0x21: {  	_ =	sdelay $0x3  }
0x22: {  	s15 =	simm.s32 $0x1;
	s17 =	sand.u32 $0x1, s12  }
0x23: {  	_ =	swait.ge [sflag:s5], $0x4000;
	s15 =	simm.s32 @!p0 $0x0;
	s17 =	smul.u32 $0x10200, s17  }
0x24: {  	p2 =	por $0x1, $0x1;
	[sflag:s5] =	ssyncset.done $0x0;
	s16 =	smul.u32 $0x10200, s15  }
0x25: {  	s18 =	sshll.u32 s15, $0x10;
	[sflag:s5] =	ssyncadd.s32 $0xFFFFC000;
	s30 =	sshrl.u32 s17, $0x2  }
0x26: {  	s31 =	sshrl.u32 s18, $0x2;
	s18 =	simm.s32 $0x0;
	s16 =	sshrl.u32 s16, $0x2  }
0x27: {  	s15 =	sor.u32 $0x8000, s30;
	s17 =	sadd.s32 $0x20, s31;
	s16 =	sor.u32 $0x8000, s16  }
.LBB1_3:
0x28: {  	s19 =	sshll.u32 s18, $0xD  }
0x29: {  	s19 =	sand.u32 $0x3FFFE000, s19  }
0x2a: {  	s21 =	sadd.s32 s19, s17  }
0x2b: {  	s31 =	smul.u32 $0x8100, s18;
	v3 =	vld [tilespmem:s21+$0x10]  }
0x2c: {  	v1 =	vld [tilespmem:s21+$0xFFFFFFF0]  }
0x2d: {  	s18 =	sshra.s32 s31, $0x2;
	v0 =	vld [tilespmem:s21+$0x0]  }
0x2e: {  	s18 =	sadd.s32 s18, s16;
	v2 =	vld [tilespmem:s21+$0xFFFFFFE0]  }
0x2f: {  	s19 =	sadd.s32 $0x0, s18  }
0x30: {  	p1 =	por p2, p2;
	s20 =	simm.s32 $0x4;
	s21 =	sadd.s32 $0x40, s21;
	[tilespmem:s19+$0x1830 ss:$0x81] =	vst.msk $0xffff, v3  }
.LBB1_4:
0x31: {  	v3 =	vld [tilespmem:s21+$0x10];
	p2 =	sne.s32 s20, $0x1FC;
	[tilespmem:s19+$0x810 ss:$0x81] =	vst.msk $0xffff, v1;
	s22 =	smov.u32 s20;
	s20 =	sadd.s32 $0x4, s20  }
.Ltmp3:
0x32: {  	v1 =	vld [tilespmem:s21+$0xFFFFFFF0];
	[tilespmem:s19+$0x1020 ss:$0x81] =	vst.msk $0xffff, v0;
	(pc) =	sbr.rel @p2 .LBB1_4-.Ltmp3, $4  }
0x33: {  	v0 =	vld [tilespmem:s21+$0x0];
	[tilespmem:s19+$0x0 ss:$0x81] =	vst.msk $0xffff, v2  }
0x34: {  	s19 =	sshra.s32 s22, $0x2;
	v2 =	vld [tilespmem:s21+$0xFFFFFFE0]  }
0x35: {  	s19 =	sadd.s32 s19, s18  }
0x36: {  	s21 =	sadd.s32 $0x40, s21;
	[tilespmem:s19+$0x1830 ss:$0x81] =	vst.msk $0xffff, v3  }
.Ltmp4:
0x37: {  	(pc) =	sbr.rel @p1 .LBB1_3-.Ltmp4, $4  }
0x38: {  	_ = 	snop  }
0x39: {  	[tilespmem:s19+$0x810 ss:$0x81] =	vst.msk $0xffff, v1  }
0x3a: {  	[tilespmem:s19+$0x1020 ss:$0x81] =	vst.msk $0xffff, v0  }
0x3b: {  	s18 =	simm.s32 $0x1;
	p2 =	por $0x0, $0x0;
	[tilespmem:s19+$0x0 ss:$0x81] =	vst.msk $0xffff, v2  }
.Ltmp5:
0x3c: {  	s16 =	sand.u32 $0xF80, s13;
	s14 =	sshll.u32 s14, $0xC;
	(pc) =	sbr.rel .LBB1_7-.Ltmp5, $4  }
0x3d: {  	s17 =	sshrl.u32 s13, $0x3;
	s31 =	sand.u32 $0x7, s13;
	s14 =	sadd.s32 s3, s14  }
0x3e: {  	s17 =	sand.u32 $0xF, s17;
	s13 =	sshll.u32 s31, $0x12;
	s14 =	sadd.s32 s16, s14  }
0x3f: {  	s13 =	sor.u32 $0x400, s13;
	s14 =	sadd.s32 s17, s14  }
0x40: {  	[hbm4b:s14+s13] =	stream.strided.scatter [tilespmem:s15], [sflag:$0x2], $0x4000, s9, s13, $0x20;
	[tilespmem:$0x10100] =	vst v63  }
.LBB1_8:
0x41: {  	_ =	sfence.sel $0x180000  }
0x42: {  	s2 =	simm.s32 $0x1;
	[bflag:$0x0] =	sbarrier.arrive $0xFFFF  }
0x43: {  	s31 =	simm.s32 $0x2;
	[sflag:s2] =	ssyncpa.u1 $0x1  }
0x44: {  	[sflag:s31] =	ssyncpa.u1 $0x1  }
0x45: {  	p0 =	sne.s32 s0, $0x0;
	_ =	strace $0x9000004A  }
0x46: {  	s0 =	sadd.s32 @!p0 $0x100000, s1;
	[bflag:$0x2] =	sbarrier.arrive $0xFFFF  }
0x47: {  	[sflag:s0] =	ssyncadd.tile.s32 @!p0 $0x1;
	_ =	shalt  }
.Lfunc_end1:
_tile_overlayer_lowered:
.L_overlay_start_2:
0x48: {  	(tag) =	ssettag $0x2  }
0x49: {  	s0 =	rddreg [dreg:$0x0];
	s2 =	stileid.u32  }
0x4a: {  	s1 =	rddreg [dreg:$0x1];
	p0 =	sne.s32 s2, $0x0  }
0x4b: {  	s3 =	rddreg [dreg:$0x2];
	[bflag:$0x3] =	sbarrier.arrive $0xFFFF;
	s2 =	simm.s32 @!p0 $0x1C01  }
0x4c: {  	[timem:s3], [sflag:s2] =	dma.local @!p0 [hbm:s0], s1  }
0x4d: {  	s0 =	simm.s32 @!p0 $0x1  }
0x4e: {  	_ =	swait.ge @!p0 [sflag:s0], s1  }
0x4f: {  	s1 =	ssub.s32 @!p0 $0x0, s1;
	[sflag:s0] =	ssyncset.done @!p0 $0x0  }
0x50: {  	[sflag:s0] =	ssyncadd.s32 @!p0 s1  }
0x51: {  	[bflag:$0x3] =	sbarrier.arrive $0xFFFF  }
0x52: {  	_ =	shalt  }

</sc_bundles>
